<compile_context>
chip_gen: v7x
topology: tpu7x:2x2x1
jax: 0.10.2.dev20260603
libtpu: 0.0.44.dev20260713+nightly
codegen_flags: <defaults>
</compile_context>

<pallas_src>
import dataclasses
import functools

import jax
import jax.numpy as jnp
from jax import lax
from jax.experimental import pallas as pl
from jax.experimental.pallas import tpu as pltpu
from jax.experimental.pallas import tpu_sc as plsc

N = 10000
E = 320000
D = 128
L = 16

NC = 2
NS = 16
NW = NC * NS
EDGES_PER_W = E // NW
CHUNK = 80
IBLK = 2000
NBLK = EDGES_PER_W // IBLK
CPB = IBLK // CHUNK
N_PAD = 10240
ROWS_PER_SUB = N_PAD // NS


def _sc_side(ego, row3, col, vals):
    mesh = plsc.VectorSubcoreMesh(core_axis_name="c", subcore_axis_name="s")

    cp = pltpu.CompilerParams()
    if "needs_layout_passes" in pltpu.CompilerParams.__dataclass_fields__:
        cp = dataclasses.replace(cp, needs_layout_passes=False)

    @functools.partial(
        pl.kernel,
        compiler_params=cp,
        out_type=jax.ShapeDtypeStruct((NC, N_PAD, D), jnp.float32),
        mesh=mesh,
        scratch_types=[
            pltpu.VMEM((CPB, CHUNK), jnp.int32),
            pltpu.VMEM((IBLK,), jnp.int32),
            pltpu.VMEM((IBLK,), jnp.float32),
            pltpu.VMEM((CHUNK, D), jnp.float32),
            pltpu.VMEM((CHUNK, D), jnp.float32),
            pltpu.VMEM((CHUNK, D), jnp.float32),
            pltpu.VMEM_SHARED((N_PAD, D), jnp.float32),
            pltpu.SemaphoreType.DMA,
            pltpu.SemaphoreType.DMA,
            pltpu.SemaphoreType.DMA,
            pltpu.SemaphoreType.DMA,
            pltpu.SemaphoreType.DMA,
            pltpu.SemaphoreType.DMA,
        ],
    )
    def body(ego_hbm, row_hbm, col_hbm, val_hbm, out_hbm,
             row_v, col_v, val_v, rows_0, rows_1, rows_2, acc_sh,
             gs0, gs1, gs2, ss0, ss1, ss2):
        core = lax.axis_index("c")
        sid = lax.axis_index("s")
        wid = core * NS + sid
        base = wid * EDGES_PER_W

        zvec = jnp.zeros((L,), jnp.float32)

        @pl.loop(0, CHUNK)
        def _(i):
            for j in range(D // L):
                rows_0[i, pl.ds(j * L, L)] = zvec

        @pl.loop(0, ROWS_PER_SUB // CHUNK)
        def _(k):
            pltpu.sync_copy(
                rows_0,
                acc_sh.at[pl.ds(sid * ROWS_PER_SUB + k * CHUNK, CHUNK)])

        plsc.subcore_barrier()

        bufs = ((rows_0, gs0, ss0), (rows_1, gs1, ss1), (rows_2, gs2, ss2))

        def g_start(c, k):
            pltpu.async_copy(
                ego_hbm.at[col_v.at[pl.ds(c * CHUNK, CHUNK)]],
                bufs[k][0], bufs[k][1])

        def g_wait(k):
            pltpu.make_async_copy(
                ego_hbm.at[col_v.at[pl.ds(0, CHUNK)]],
                bufs[k][0], bufs[k][1]).wait()

        def s_start(c, k):
            pltpu.async_copy(bufs[k][0], acc_sh.at[row_v.at[c]], bufs[k][2],
                             add=True)

        def s_wait(k):
            pltpu.make_async_copy(bufs[k][0], acc_sh.at[row_v.at[0]],
                                  bufs[k][2]).wait()

        def scale(c, k):
            buf = bufs[k][0]

            @pl.loop(0, CHUNK, step=2)
            def _(i):
                for u in range(2):
                    idx = jnp.full((L,), c * CHUNK + i + u, jnp.int32)
                    vv = plsc.load_gather(val_v, [idx])
                    for j in range(D // L):
                        sl = (i + u, pl.ds(j * L, L))
                        buf[sl] = buf[sl] * vv

        def step(c, k, swait, gstart):
            k1 = (k + 1) % 3
            if swait:
                s_wait(k1)
            if gstart:
                g_start(c + 1, k1)
            g_wait(k)
            s_start(c, k)

        @pl.loop(0, NBLK)
        def _(bk):
            pltpu.sync_copy(row_hbm.at[wid, bk], row_v)
            pltpu.sync_copy(col_hbm.at[pl.ds(base + bk * IBLK, IBLK)], col_v)
            pltpu.sync_copy(val_hbm.at[pl.ds(base + bk * IBLK, IBLK)], val_v)

            g_start(0, 0)
            g_start(1, 1)
            step(0, 0, swait=False, gstart=False)
            g_start(2, 2)
            step(1, 1, swait=False, gstart=False)

            @pl.loop(0, (CPB - 4) // 3)
            def _(t):
                c0 = 3 * t + 2
                step(c0, 2, swait=True, gstart=True)
                step(c0 + 1, 0, swait=True, gstart=True)
                step(c0 + 2, 1, swait=True, gstart=True)

            step(CPB - 2, 2, swait=True, gstart=True)
            step(CPB - 1, 0, swait=True, gstart=False)
            s_wait(2)
            s_wait(0)

        plsc.subcore_barrier()

        pltpu.sync_copy(
            acc_sh.at[pl.ds(sid * ROWS_PER_SUB, ROWS_PER_SUB)],
            out_hbm.at[core, pl.ds(sid * ROWS_PER_SUB, ROWS_PER_SUB)])

    return body(ego, row3, col, vals)


def _tc_body(ego_b, s_b0, s_b1, w_b, bias_b, out_b):
    hi = ego_b[...] + s_b0[...][0] + s_b1[...][0]
    acc = lax.dot_general(hi, w_b[...], (((1,), (1,)), ((), ())),
                          preferred_element_type=jnp.float32)
    acc = acc + bias_b[...]
    out_b[...] = jnp.where(acc >= 0, acc, 0.01 * acc)


def _tc_linear(ego, partials, W, bias2d):
    blk = 1000
    return pl.pallas_call(
        _tc_body,
        grid=(N // blk,),
        in_specs=[
            pl.BlockSpec((blk, D), lambda i: (i, 0)),
            pl.BlockSpec((1, blk, D), lambda i: (0, i, 0)),
            pl.BlockSpec((1, blk, D), lambda i: (1, i, 0)),
            pl.BlockSpec((D, D), lambda i: (0, 0)),
            pl.BlockSpec((1, D), lambda i: (0, 0)),
        ],
        out_specs=pl.BlockSpec((blk, D), lambda i: (i, 0)),
        out_shape=jax.ShapeDtypeStruct((N, D), jnp.float32),
    )(ego, partials, partials, W, bias2d)


def kernel(ego_embeddings, edge_index, edge_vals, h0, W, b, lamda, alpha, l):
    row = edge_index[0].reshape(NW, NBLK, CPB, CHUNK)
    col = edge_index[1]
    partials = _sc_side(ego_embeddings, row, col, edge_vals)
    return _tc_linear(ego_embeddings, partials, W, b.reshape(1, D))

# --- scband reference (transcript-rebuilt; emitter-appended) ---
"""Pipeline reference for scband-aggregator-40114994545368 (READ-ONLY COPY).

The authoritative reference and input builder live on the scoring server;
editing this copy changes nothing except your own understanding.
"""

import jax, jax.numpy as jnp
import numpy as np

N = 10000
E = 320000
D = 128


def setup_inputs(seed: int = 0) -> dict:
    key = jax.random.key(seed)
    k1, k2, k3, k4, k5, k6 = jax.random.split(key, 6)
    ego_embeddings = jax.random.normal(k1, (N, D), dtype=jnp.float32)
    # A_in (sparse NxN) represented in COO form: edge_index[0]=row(dst), edge_index[1]=col(src)
    edge_index = jax.random.randint(k2, (2, E), 0, N, dtype=jnp.int32)
    edge_vals = jax.random.uniform(k3, (E,), dtype=jnp.float32)
    h0 = jax.random.normal(k4, (N, D), dtype=jnp.float32)
    # gcn linear: weight (out_dim, in_dim) xavier-uniform, bias zeros
    limit = float(np.sqrt(6.0 / (D + D)))
    W = jax.random.uniform(k5, (D, D), dtype=jnp.float32, minval=-limit, maxval=limit)
    b = jnp.zeros((D,), dtype=jnp.float32)
    return {
        "ego_embeddings": ego_embeddings,
        "edge_index": edge_index,
        "edge_vals": edge_vals,
        "h0": h0,
        "W": W,
        "b": b,
        "lamda": 1,
        "alpha": 0,
        "l": 1,
    }


def reference(ego_embeddings, edge_index, edge_vals, h0, W, b, lamda, alpha, l):
    # side_embeddings = A_in @ ego_embeddings  (sparse matmul as gather + scatter-add)
    row = edge_index[0]
    col = edge_index[1]
    messages = edge_vals[:, None] * jnp.take(ego_embeddings, col, axis=0)
    side_embeddings = jax.ops.segment_sum(messages, row, num_segments=ego_embeddings.shape[0])
    # aggregator_type == 'gcn'
    hi = ego_embeddings + side_embeddings
    # use_residual=False -> residual_connection is identity (h0, lamda, alpha, l unused)
    embeddings = hi @ W.T + b
    # LeakyReLU(negative_slope=0.01)
    embeddings = jnp.where(embeddings >= 0, embeddings, 0.01 * embeddings)
    # message_dropout with p=0.0 is identity
    return embeddings

if __name__ == "__main__":
    import jax
    _d = setup_inputs()
    print(jax.jit(kernel)(*tuple(_d.values())))

</pallas_src>

<mosaic_0001>
#map = affine_map<(d0, d1) -> (0, 0)>
#map1 = affine_map<(d0, d1) -> (0, 0, 0, 0)>
#map2 = affine_map<(d0, d1) -> (0)>
#map3 = affine_map<(d0, d1) -> (0, 0, 0)>
module attributes {stable_mosaic.version = 14 : i64} {
  func.func @body(%arg0: i32, %arg1: i32, %arg2: memref<10000x128xf32, #tpu.memory_space<hbm>>, %arg3: memref<32x5x25x80xi32, #tpu.memory_space<hbm>>, %arg4: memref<320000xi32, #tpu.memory_space<hbm>>, %arg5: memref<320000xf32, #tpu.memory_space<hbm>>, %arg6: memref<2x10240x128xf32, #tpu.memory_space<hbm>>, %arg7: memref<25x80xi32, #tpu.memory_space<vmem>>, %arg8: memref<2000xi32, #tpu.memory_space<vmem>>, %arg9: memref<2000xf32, #tpu.memory_space<vmem>>, %arg10: memref<80x128xf32, #tpu.memory_space<vmem>>, %arg11: memref<80x128xf32, #tpu.memory_space<vmem>>, %arg12: memref<80x128xf32, #tpu.memory_space<vmem>>, %arg13: memref<10240x128xf32, #tpu.memory_space<vmem_shared>>, %arg14: memref<!tpu.dma_semaphore, #tpu.memory_space<semaphore_mem>>, %arg15: memref<!tpu.dma_semaphore, #tpu.memory_space<semaphore_mem>>, %arg16: memref<!tpu.dma_semaphore, #tpu.memory_space<semaphore_mem>>, %arg17: memref<!tpu.dma_semaphore, #tpu.memory_space<semaphore_mem>>, %arg18: memref<!tpu.dma_semaphore, #tpu.memory_space<semaphore_mem>>, %arg19: memref<!tpu.dma_semaphore, #tpu.memory_space<semaphore_mem>>) attributes {dimension_semantics = [#tpu.dimension_semantics<core_parallel>, #tpu.dimension_semantics<subcore_parallel>], iteration_bounds = array<i64: 2, 16>, scalar_prefetch = 0 : i64, scratch_operands = 13 : i64, tpu.core_type = #tpu.core_type<sc_vector_subcore>, window_params = [{transform_indices = #map}, {transform_indices = #map1}, {transform_indices = #map2}, {transform_indices = #map2}, {transform_indices = #map3}]} {
    %mul3A = arith.constant 16 : i32
    %mul3A_0 = arith.muli %arg0, %mul3A : i32
    %add3A = arith.addi %mul3A_0, %arg1 : i32
    %mul3A_1 = arith.constant 10000 : i32
    %mul3A_2 = arith.muli %add3A, %mul3A_1 : i32
    %broadcast_in_dim3A = arith.constant 0.000000e+00 : f32
    %broadcast_in_dim3A_3 = vector.broadcast %broadcast_in_dim3A : f32 to vector<16xf32>
    %scan3A = arith.constant 0 : i32
    %scan3A_4 = arith.constant 80 : i32
    %scan3A_5 = arith.addi %scan3A, %scan3A_4 : i32
    %scan3A_6 = arith.constant 1 : i32
    scf.for %scan3A_23 = %scan3A to %scan3A_5 step %scan3A_6  : i32 {
      %mul3A_24 = arith.constant 1 : i32
      %mul3A_25 = arith.muli %scan3A_23, %mul3A_24 : i32
      %add3A_26 = arith.constant 0 : i32
      %add3A_27 = arith.addi %add3A_26, %mul3A_25 : i32
      %swap3A = arith.index_cast %add3A_27 : i32 to index
      %swap3A_28 = arith.constant 0 : index
      %swap3A_29 = tpu.vector_load %arg10[%swap3A, %swap3A_28] {strides = array<i32>} : memref<80x128xf32, #tpu.memory_space<vmem>>, vector<16xf32>,
      tpu.vector_store %arg10[%swap3A, %swap3A_28], %broadcast_in_dim3A_3 {strides = array<i32>} : memref<80x128xf32, #tpu.memory_space<vmem>>, vector<16xf32>,
      %swap3A_30 = arith.index_cast %add3A_27 : i32 to index
      %swap3A_31 = arith.constant 16 : index
      %swap3A_32 = tpu.vector_load %arg10[%swap3A_30, %swap3A_31] {strides = array<i32>} : memref<80x128xf32, #tpu.memory_space<vmem>>, vector<16xf32>,
      tpu.vector_store %arg10[%swap3A_30, %swap3A_31], %broadcast_in_dim3A_3 {strides = array<i32>} : memref<80x128xf32, #tpu.memory_space<vmem>>, vector<16xf32>,
      %swap3A_33 = arith.index_cast %add3A_27 : i32 to index
      %swap3A_34 = arith.constant 32 : index
      %swap3A_35 = tpu.vector_load %arg10[%swap3A_33, %swap3A_34] {strides = array<i32>} : memref<80x128xf32, #tpu.memory_space<vmem>>, vector<16xf32>,
      tpu.vector_store %arg10[%swap3A_33, %swap3A_34], %broadcast_in_dim3A_3 {strides = array<i32>} : memref<80x128xf32, #tpu.memory_space<vmem>>, vector<16xf32>,
      %swap3A_36 = arith.index_cast %add3A_27 : i32 to index
      %swap3A_37 = arith.constant 48 : index
      %swap3A_38 = tpu.vector_load %arg10[%swap3A_36, %swap3A_37] {strides = array<i32>} : memref<80x128xf32, #tpu.memory_space<vmem>>, vector<16xf32>,
      tpu.vector_store %arg10[%swap3A_36, %swap3A_37], %broadcast_in_dim3A_3 {strides = array<i32>} : memref<80x128xf32, #tpu.memory_space<vmem>>, vector<16xf32>,
      %swap3A_39 = arith.index_cast %add3A_27 : i32 to index
      %swap3A_40 = arith.constant 64 : index
      %swap3A_41 = tpu.vector_load %arg10[%swap3A_39, %swap3A_40] {strides = array<i32>} : memref<80x128xf32, #tpu.memory_space<vmem>>, vector<16xf32>,
      tpu.vector_store %arg10[%swap3A_39, %swap3A_40], %broadcast_in_dim3A_3 {strides = array<i32>} : memref<80x128xf32, #tpu.memory_space<vmem>>, vector<16xf32>,
      %swap3A_42 = arith.index_cast %add3A_27 : i32 to index
      %swap3A_43 = arith.constant 80 : index
      %swap3A_44 = tpu.vector_load %arg10[%swap3A_42, %swap3A_43] {strides = array<i32>} : memref<80x128xf32, #tpu.memory_space<vmem>>, vector<16xf32>,
      tpu.vector_store %arg10[%swap3A_42, %swap3A_43], %broadcast_in_dim3A_3 {strides = array<i32>} : memref<80x128xf32, #tpu.memory_space<vmem>>, vector<16xf32>,
      %swap3A_45 = arith.index_cast %add3A_27 : i32 to index
      %swap3A_46 = arith.constant 96 : index
      %swap3A_47 = tpu.vector_load %arg10[%swap3A_45, %swap3A_46] {strides = array<i32>} : memref<80x128xf32, #tpu.memory_space<vmem>>, vector<16xf32>,
      tpu.vector_store %arg10[%swap3A_45, %swap3A_46], %broadcast_in_dim3A_3 {strides = array<i32>} : memref<80x128xf32, #tpu.memory_space<vmem>>, vector<16xf32>,
      %swap3A_48 = arith.index_cast %add3A_27 : i32 to index
      %swap3A_49 = arith.constant 112 : index
      %swap3A_50 = tpu.vector_load %arg10[%swap3A_48, %swap3A_49] {strides = array<i32>} : memref<80x128xf32, #tpu.memory_space<vmem>>, vector<16xf32>,
      tpu.vector_store %arg10[%swap3A_48, %swap3A_49], %broadcast_in_dim3A_3 {strides = array<i32>} : memref<80x128xf32, #tpu.memory_space<vmem>>, vector<16xf32>,
    }
    %scan3A_7 = arith.constant 80 : i32
    %scan3A_8 = arith.constant 0 : i32
    %scan3A_9 = arith.constant 8 : i32
    %scan3A_10 = arith.addi %scan3A_8, %scan3A_9 : i32
    %scan3A_11 = arith.constant 1 : i32
    scf.for %scan3A_23 = %scan3A_8 to %scan3A_10 step %scan3A_11  : i32 {
      %mul3A_24 = arith.constant 1 : i32
      %mul3A_25 = arith.muli %scan3A_23, %mul3A_24 : i32
      %add3A_26 = arith.constant 0 : i32
      %add3A_27 = arith.addi %add3A_26, %mul3A_25 : i32
      %mul3A_28 = arith.constant 640 : i32
      %mul3A_29 = arith.muli %arg1, %mul3A_28 : i32
      %mul3A_30 = arith.constant 80 : i32
      %mul3A_31 = arith.muli %add3A_27, %mul3A_30 : i32
      %add3A_32 = arith.addi %mul3A_29, %mul3A_31 : i32
      "tpu.region"() ({
        %run_scoped3A = tpu.sem_alloc : memref<!tpu.dma_semaphore, #tpu.memory_space<semaphore_mem>>
        %dma_start3A = arith.constant 0 : i32
        %dma_start3A_33 = tpu.memref_slice %arg13[%add3A_32, %dma_start3A] : memref<10240x128xf32, #tpu.memory_space<vmem_shared>> -> memref<80x128xf32, #tpu.memory_space<vmem_shared>>
        %dma_start3A_34 = arith.constant 0 : i32
        %dma_start3A_35 = tpu.memref_slice %arg13[%add3A_32, %dma_start3A_34] : memref<10240x128xf32, #tpu.memory_space<vmem_shared>> -> memref<80x128xf32, #tpu.memory_space<vmem_shared>>
        tpu.enqueue_dma source(%arg10 : memref<80x128xf32, #tpu.memory_space<vmem>>) target(%dma_start3A_35 : memref<80x128xf32, #tpu.memory_space<vmem_shared>>) target_semaphore(%run_scoped3A : memref<!tpu.dma_semaphore, #tpu.memory_space<semaphore_mem>>)
        %dma_wait3A = arith.constant 0 : i32
        %dma_wait3A_36 = tpu.memref_slice %arg13[%add3A_32, %dma_wait3A] : memref<10240x128xf32, #tpu.memory_space<vmem_shared>> -> memref<80x128xf32, #tpu.memory_space<vmem_shared>>
        %dma_wait3A_37 = arith.constant 0 : i32
        %dma_wait3A_38 = tpu.memref_slice %arg13[%add3A_32, %dma_wait3A_37] : memref<10240x128xf32, #tpu.memory_space<vmem_shared>> -> memref<80x128xf32, #tpu.memory_space<vmem_shared>>
        tpu.wait_dma2 semaphore(%run_scoped3A : memref<!tpu.dma_semaphore, #tpu.memory_space<semaphore_mem>>) src(%arg10 : memref<80x128xf32, #tpu.memory_space<vmem>>) dst(%dma_wait3A_38 : memref<80x128xf32, #tpu.memory_space<vmem_shared>>)
        tpu.yield
      }) : () -> ()
    }
    %scan3A_12 = arith.constant 8 : i32
    %barrier3A = arith.constant 0 : index
    tpu.barrier barrier_id(%barrier3A)
    %scan3A_13 = arith.constant 0 : i32
    %scan3A_14 = arith.constant 5 : i32
    %scan3A_15 = arith.addi %scan3A_13, %scan3A_14 : i32
    %scan3A_16 = arith.constant 1 : i32
    scf.for %scan3A_23 = %scan3A_13 to %scan3A_15 step %scan3A_16  : i32 {
      %mul3A_24 = arith.constant 1 : i32
      %mul3A_25 = arith.muli %scan3A_23, %mul3A_24 : i32
      %add3A_26 = arith.constant 0 : i32
      %add3A_27 = arith.addi %add3A_26, %mul3A_25 : i32
      "tpu.region"() ({
        %run_scoped3A = tpu.sem_alloc : memref<!tpu.dma_semaphore, #tpu.memory_space<semaphore_mem>>
        %dma_start3A_133 = arith.constant 0 : i32
        %dma_start3A_134 = arith.constant 0 : i32
        %dma_start3A_135 = tpu.memref_slice %arg3[%add3A, %add3A_27, %dma_start3A_133, %dma_start3A_134] : memref<32x5x25x80xi32, #tpu.memory_space<hbm>> -> memref<1x1x25x80xi32, #tpu.memory_space<hbm>>
        %dma_start3A_136 = tpu.memref_squeeze %dma_start3A_135 : memref<1x1x25x80xi32, #tpu.memory_space<hbm>> -> memref<25x80xi32, #tpu.memory_space<hbm>>
        %dma_start3A_137 = arith.constant 0 : i32
        %dma_start3A_138 = arith.constant 0 : i32
        %dma_start3A_139 = tpu.memref_slice %arg3[%add3A, %add3A_27, %dma_start3A_137, %dma_start3A_138] : memref<32x5x25x80xi32, #tpu.memory_space<hbm>> -> memref<1x1x25x80xi32, #tpu.memory_space<hbm>>
        %dma_start3A_140 = tpu.memref_squeeze %dma_start3A_139 : memref<1x1x25x80xi32, #tpu.memory_space<hbm>> -> memref<25x80xi32, #tpu.memory_space<hbm>>
        tpu.enqueue_dma source(%dma_start3A_140 : memref<25x80xi32, #tpu.memory_space<hbm>>) target(%arg7 : memref<25x80xi32, #tpu.memory_space<vmem>>) target_semaphore(%run_scoped3A : memref<!tpu.dma_semaphore, #tpu.memory_space<semaphore_mem>>)
        %dma_wait3A_141 = arith.constant 0 : i32
        %dma_wait3A_142 = arith.constant 0 : i32
        %dma_wait3A_143 = tpu.memref_slice %arg3[%add3A, %add3A_27, %dma_wait3A_141, %dma_wait3A_142] : memref<32x5x25x80xi32, #tpu.memory_space<hbm>> -> memref<1x1x25x80xi32, #tpu.memory_space<hbm>>
        %dma_wait3A_144 = tpu.memref_squeeze %dma_wait3A_143 : memref<1x1x25x80xi32, #tpu.memory_space<hbm>> -> memref<25x80xi32, #tpu.memory_space<hbm>>
        %dma_wait3A_145 = arith.constant 0 : i32
        %dma_wait3A_146 = arith.constant 0 : i32
        %dma_wait3A_147 = tpu.memref_slice %arg3[%add3A, %add3A_27, %dma_wait3A_145, %dma_wait3A_146] : memref<32x5x25x80xi32, #tpu.memory_space<hbm>> -> memref<1x1x25x80xi32, #tpu.memory_space<hbm>>
        %dma_wait3A_148 = tpu.memref_squeeze %dma_wait3A_147 : memref<1x1x25x80xi32, #tpu.memory_space<hbm>> -> memref<25x80xi32, #tpu.memory_space<hbm>>
        tpu.wait_dma2 semaphore(%run_scoped3A : memref<!tpu.dma_semaphore, #tpu.memory_space<semaphore_mem>>) src(%dma_wait3A_148 : memref<25x80xi32, #tpu.memory_space<hbm>>) dst(%arg7 : memref<25x80xi32, #tpu.memory_space<vmem>>)
        tpu.yield
      }) : () -> ()
      %mul3A_28 = arith.constant 2000 : i32
      %mul3A_29 = arith.muli %add3A_27, %mul3A_28 : i32
      %add3A_30 = arith.addi %mul3A_2, %mul3A_29 : i32
      "tpu.region"() ({
        %run_scoped3A = tpu.sem_alloc : memref<!tpu.dma_semaphore, #tpu.memory_space<semaphore_mem>>
        %dma_start3A_133 = tpu.memref_slice %arg4[%add3A_30] : memref<320000xi32, #tpu.memory_space<hbm>> -> memref<2000xi32, #tpu.memory_space<hbm>>
        %dma_start3A_134 = tpu.memref_slice %arg4[%add3A_30] : memref<320000xi32, #tpu.memory_space<hbm>> -> memref<2000xi32, #tpu.memory_space<hbm>>
        tpu.enqueue_dma source(%dma_start3A_134 : memref<2000xi32, #tpu.memory_space<hbm>>) target(%arg8 : memref<2000xi32, #tpu.memory_space<vmem>>) target_semaphore(%run_scoped3A : memref<!tpu.dma_semaphore, #tpu.memory_space<semaphore_mem>>)
        %dma_wait3A_135 = tpu.memref_slice %arg4[%add3A_30] : memref<320000xi32, #tpu.memory_space<hbm>> -> memref<2000xi32, #tpu.memory_space<hbm>>
        %dma_wait3A_136 = tpu.memref_slice %arg4[%add3A_30] : memref<320000xi32, #tpu.memory_space<hbm>> -> memref<2000xi32, #tpu.memory_space<hbm>>
        tpu.wait_dma2 semaphore(%run_scoped3A : memref<!tpu.dma_semaphore, #tpu.memory_space<semaphore_mem>>) src(%dma_wait3A_136 : memref<2000xi32, #tpu.memory_space<hbm>>) dst(%arg8 : memref<2000xi32, #tpu.memory_space<vmem>>)
        tpu.yield
      }) : () -> ()
      %mul3A_31 = arith.constant 2000 : i32
      %mul3A_32 = arith.muli %add3A_27, %mul3A_31 : i32
      %add3A_33 = arith.addi %mul3A_2, %mul3A_32 : i32
      "tpu.region"() ({
        %run_scoped3A = tpu.sem_alloc : memref<!tpu.dma_semaphore, #tpu.memory_space<semaphore_mem>>
        %dma_start3A_133 = tpu.memref_slice %arg5[%add3A_33] : memref<320000xf32, #tpu.memory_space<hbm>> -> memref<2000xf32, #tpu.memory_space<hbm>>
        %dma_start3A_134 = tpu.memref_slice %arg5[%add3A_33] : memref<320000xf32, #tpu.memory_space<hbm>> -> memref<2000xf32, #tpu.memory_space<hbm>>
        tpu.enqueue_dma source(%dma_start3A_134 : memref<2000xf32, #tpu.memory_space<hbm>>) target(%arg9 : memref<2000xf32, #tpu.memory_space<vmem>>) target_semaphore(%run_scoped3A : memref<!tpu.dma_semaphore, #tpu.memory_space<semaphore_mem>>)
        %dma_wait3A_135 = tpu.memref_slice %arg5[%add3A_33] : memref<320000xf32, #tpu.memory_space<hbm>> -> memref<2000xf32, #tpu.memory_space<hbm>>
        %dma_wait3A_136 = tpu.memref_slice %arg5[%add3A_33] : memref<320000xf32, #tpu.memory_space<hbm>> -> memref<2000xf32, #tpu.memory_space<hbm>>
        tpu.wait_dma2 semaphore(%run_scoped3A : memref<!tpu.dma_semaphore, #tpu.memory_space<semaphore_mem>>) src(%dma_wait3A_136 : memref<2000xf32, #tpu.memory_space<hbm>>) dst(%arg9 : memref<2000xf32, #tpu.memory_space<vmem>>)
        tpu.yield
      }) : () -> ()
      %dma_start3A = arith.constant 0 : i32
      %dma_start3A_34 = tpu.memref_slice %arg8[%dma_start3A] : memref<2000xi32, #tpu.memory_space<vmem>> -> memref<80xi32, #tpu.memory_space<vmem>>
      %dma_start3A_35 = arith.constant 0 : i32
      %dma_start3A_36 = arith.constant 0 : i32
      %dma_start3A_37 = tpu.memref_slice %arg2[%dma_start3A_35, %dma_start3A_36] : memref<10000x128xf32, #tpu.memory_space<hbm>> -> memref<10000x128xf32, #tpu.memory_space<hbm>>
      tpu.enqueue_indirect_dma source(%dma_start3A_37 : memref<10000x128xf32, #tpu.memory_space<hbm>>) target(%arg10 : memref<80x128xf32, #tpu.memory_space<vmem>>) offsets(%dma_start3A_34 : memref<80xi32, #tpu.memory_space<vmem>>) semaphore(%arg14 : memref<!tpu.dma_semaphore, #tpu.memory_space<semaphore_mem>>)
      %dma_start3A_38 = arith.constant 80 : i32
      %dma_start3A_39 = tpu.memref_slice %arg8[%dma_start3A_38] : memref<2000xi32, #tpu.memory_space<vmem>> -> memref<80xi32, #tpu.memory_space<vmem>>
      %dma_start3A_40 = arith.constant 0 : i32
      %dma_start3A_41 = arith.constant 0 : i32
      %dma_start3A_42 = tpu.memref_slice %arg2[%dma_start3A_40, %dma_start3A_41] : memref<10000x128xf32, #tpu.memory_space<hbm>> -> memref<10000x128xf32, #tpu.memory_space<hbm>>
      tpu.enqueue_indirect_dma source(%dma_start3A_42 : memref<10000x128xf32, #tpu.memory_space<hbm>>) target(%arg11 : memref<80x128xf32, #tpu.memory_space<vmem>>) offsets(%dma_start3A_39 : memref<80xi32, #tpu.memory_space<vmem>>) semaphore(%arg15 : memref<!tpu.dma_semaphore, #tpu.memory_space<semaphore_mem>>)
      %dma_wait3A = arith.constant 0 : i32
      %dma_wait3A_43 = tpu.memref_slice %arg8[%dma_wait3A] : memref<2000xi32, #tpu.memory_space<vmem>> -> memref<80xi32, #tpu.memory_space<vmem>>
      %dma_wait3A_44 = arith.constant 0 : i32
      %dma_wait3A_45 = arith.constant 0 : i32
      %dma_wait3A_46 = tpu.memref_slice %arg2[%dma_wait3A_44, %dma_wait3A_45] : memref<10000x128xf32, #tpu.memory_space<hbm>> -> memref<10000x128xf32, #tpu.memory_space<hbm>>
      tpu.wait_indirect_dma semaphore(%arg14 : memref<!tpu.dma_semaphore, #tpu.memory_space<semaphore_mem>>) src(%dma_wait3A_46 : memref<10000x128xf32, #tpu.memory_space<hbm>>) dst(%arg10 : memref<80x128xf32, #tpu.memory_space<vmem>>)
      %dma_start3A_47 = arith.constant 0 : i32
      %dma_start3A_48 = arith.constant 0 : i32
      %dma_start3A_49 = tpu.memref_slice %arg7[%dma_start3A_47, %dma_start3A_48] : memref<25x80xi32, #tpu.memory_space<vmem>> -> memref<1x80xi32, #tpu.memory_space<vmem>>
      %dma_start3A_50 = tpu.memref_squeeze %dma_start3A_49 : memref<1x80xi32, #tpu.memory_space<vmem>> -> memref<80xi32, #tpu.memory_space<vmem>>
      %dma_start3A_51 = arith.constant 0 : i32
      %dma_start3A_52 = arith.constant 0 : i32
      %dma_start3A_53 = tpu.memref_slice %arg13[%dma_start3A_51, %dma_start3A_52] : memref<10240x128xf32, #tpu.memory_space<vmem_shared>> -> memref<10240x128xf32, #tpu.memory_space<vmem_shared>>
      tpu.enqueue_indirect_dma source(%arg10 : memref<80x128xf32, #tpu.memory_space<vmem>>) target(%dma_start3A_53 : memref<10240x128xf32, #tpu.memory_space<vmem_shared>>) offsets(%dma_start3A_50 : memref<80xi32, #tpu.memory_space<vmem>>) semaphore(%arg17 : memref<!tpu.dma_semaphore, #tpu.memory_space<semaphore_mem>>) {add = true}
      %dma_start3A_54 = arith.constant 160 : i32
      %dma_start3A_55 = tpu.memref_slice %arg8[%dma_start3A_54] : memref<2000xi32, #tpu.memory_space<vmem>> -> memref<80xi32, #tpu.memory_space<vmem>>
      %dma_start3A_56 = arith.constant 0 : i32
      %dma_start3A_57 = arith.constant 0 : i32
      %dma_start3A_58 = tpu.memref_slice %arg2[%dma_start3A_56, %dma_start3A_57] : memref<10000x128xf32, #tpu.memory_space<hbm>> -> memref<10000x128xf32, #tpu.memory_space<hbm>>
      tpu.enqueue_indirect_dma source(%dma_start3A_58 : memref<10000x128xf32, #tpu.memory_space<hbm>>) target(%arg12 : memref<80x128xf32, #tpu.memory_space<vmem>>) offsets(%dma_start3A_55 : memref<80xi32, #tpu.memory_space<vmem>>) semaphore(%arg16 : memref<!tpu.dma_semaphore, #tpu.memory_space<semaphore_mem>>)
      %dma_wait3A_59 = arith.constant 0 : i32
      %dma_wait3A_60 = tpu.memref_slice %arg8[%dma_wait3A_59] : memref<2000xi32, #tpu.memory_space<vmem>> -> memref<80xi32, #tpu.memory_space<vmem>>
      %dma_wait3A_61 = arith.constant 0 : i32
      %dma_wait3A_62 = arith.constant 0 : i32
      %dma_wait3A_63 = tpu.memref_slice %arg2[%dma_wait3A_61, %dma_wait3A_62] : memref<10000x128xf32, #tpu.memory_space<hbm>> -> memref<10000x128xf32, #tpu.memory_space<hbm>>
      tpu.wait_indirect_dma semaphore(%arg15 : memref<!tpu.dma_semaphore, #tpu.memory_space<semaphore_mem>>) src(%dma_wait3A_63 : memref<10000x128xf32, #tpu.memory_space<hbm>>) dst(%arg11 : memref<80x128xf32, #tpu.memory_space<vmem>>)
      %dma_start3A_64 = arith.constant 1 : i32
      %dma_start3A_65 = arith.constant 0 : i32
      %dma_start3A_66 = tpu.memref_slice %arg7[%dma_start3A_64, %dma_start3A_65] : memref<25x80xi32, #tpu.memory_space<vmem>> -> memref<1x80xi32, #tpu.memory_space<vmem>>
      %dma_start3A_67 = tpu.memref_squeeze %dma_start3A_66 : memref<1x80xi32, #tpu.memory_space<vmem>> -> memref<80xi32, #tpu.memory_space<vmem>>
      %dma_start3A_68 = arith.constant 0 : i32
      %dma_start3A_69 = arith.constant 0 : i32
      %dma_start3A_70 = tpu.memref_slice %arg13[%dma_start3A_68, %dma_start3A_69] : memref<10240x128xf32, #tpu.memory_space<vmem_shared>> -> memref<10240x128xf32, #tpu.memory_space<vmem_shared>>
      tpu.enqueue_indirect_dma source(%arg11 : memref<80x128xf32, #tpu.memory_space<vmem>>) target(%dma_start3A_70 : memref<10240x128xf32, #tpu.memory_space<vmem_shared>>) offsets(%dma_start3A_67 : memref<80xi32, #tpu.memory_space<vmem>>) semaphore(%arg18 : memref<!tpu.dma_semaphore, #tpu.memory_space<semaphore_mem>>) {add = true}
      %scan3A_71 = arith.constant 0 : i32
      %scan3A_72 = arith.constant 7 : i32
      %scan3A_73 = arith.addi %scan3A_71, %scan3A_72 : i32
      %scan3A_74 = arith.constant 1 : i32
      scf.for %scan3A_133 = %scan3A_71 to %scan3A_73 step %scan3A_74  : i32 {
        %mul3A_134 = arith.constant 1 : i32
        %mul3A_135 = arith.muli %scan3A_133, %mul3A_134 : i32
        %add3A_136 = arith.constant 0 : i32
        %add3A_137 = arith.addi %add3A_136, %mul3A_135 : i32
        %mul3A_138 = arith.constant 3 : i32
        %mul3A_139 = arith.muli %mul3A_138, %add3A_137 : i32
        %add3A_140 = arith.constant 2 : i32
        %add3A_141 = arith.addi %mul3A_139, %add3A_140 : i32
        %dma_wait3A_142 = arith.constant 0 : i32
        %dma_wait3A_143 = arith.constant 0 : i32
        %dma_wait3A_144 = tpu.memref_slice %arg7[%dma_wait3A_142, %dma_wait3A_143] : memref<25x80xi32, #tpu.memory_space<vmem>> -> memref<1x80xi32, #tpu.memory_space<vmem>>
        %dma_wait3A_145 = tpu.memref_squeeze %dma_wait3A_144 : memref<1x80xi32, #tpu.memory_space<vmem>> -> memref<80xi32, #tpu.memory_space<vmem>>
        %dma_wait3A_146 = arith.constant 0 : i32
        %dma_wait3A_147 = arith.constant 0 : i32
        %dma_wait3A_148 = tpu.memref_slice %arg13[%dma_wait3A_146, %dma_wait3A_147] : memref<10240x128xf32, #tpu.memory_space<vmem_shared>> -> memref<10240x128xf32, #tpu.memory_space<vmem_shared>>
        tpu.wait_indirect_dma semaphore(%arg17 : memref<!tpu.dma_semaphore, #tpu.memory_space<semaphore_mem>>) src(%arg10 : memref<80x128xf32, #tpu.memory_space<vmem>>) dst(%dma_wait3A_148 : memref<10240x128xf32, #tpu.memory_space<vmem_shared>>)
        %add3A_149 = arith.constant 1 : i32
        %add3A_150 = arith.addi %add3A_141, %add3A_149 : i32
        %mul3A_151 = arith.constant 80 : i32
        %mul3A_152 = arith.muli %add3A_150, %mul3A_151 : i32
        %dma_start3A_153 = tpu.memref_slice %arg8[%mul3A_152] : memref<2000xi32, #tpu.memory_space<vmem>> -> memref<80xi32, #tpu.memory_space<vmem>>
        %dma_start3A_154 = arith.constant 0 : i32
        %dma_start3A_155 = arith.constant 0 : i32
        %dma_start3A_156 = tpu.memref_slice %arg2[%dma_start3A_154, %dma_start3A_155] : memref<10000x128xf32, #tpu.memory_space<hbm>> -> memref<10000x128xf32, #tpu.memory_space<hbm>>
        tpu.enqueue_indirect_dma source(%dma_start3A_156 : memref<10000x128xf32, #tpu.memory_space<hbm>>) target(%arg10 : memref<80x128xf32, #tpu.memory_space<vmem>>) offsets(%dma_start3A_153 : memref<80xi32, #tpu.memory_space<vmem>>) semaphore(%arg14 : memref<!tpu.dma_semaphore, #tpu.memory_space<semaphore_mem>>)
        %dma_wait3A_157 = arith.constant 0 : i32
        %dma_wait3A_158 = tpu.memref_slice %arg8[%dma_wait3A_157] : memref<2000xi32, #tpu.memory_space<vmem>> -> memref<80xi32, #tpu.memory_space<vmem>>
        %dma_wait3A_159 = arith.constant 0 : i32
        %dma_wait3A_160 = arith.constant 0 : i32
        %dma_wait3A_161 = tpu.memref_slice %arg2[%dma_wait3A_159, %dma_wait3A_160] : memref<10000x128xf32, #tpu.memory_space<hbm>> -> memref<10000x128xf32, #tpu.memory_space<hbm>>
        tpu.wait_indirect_dma semaphore(%arg16 : memref<!tpu.dma_semaphore, #tpu.memory_space<semaphore_mem>>) src(%dma_wait3A_161 : memref<10000x128xf32, #tpu.memory_space<hbm>>) dst(%arg12 : memref<80x128xf32, #tpu.memory_space<vmem>>)
        %dma_start3A_162 = arith.constant 0 : i32
        %dma_start3A_163 = tpu.memref_slice %arg7[%add3A_141, %dma_start3A_162] : memref<25x80xi32, #tpu.memory_space<vmem>> -> memref<1x80xi32, #tpu.memory_space<vmem>>
        %dma_start3A_164 = tpu.memref_squeeze %dma_start3A_163 : memref<1x80xi32, #tpu.memory_space<vmem>> -> memref<80xi32, #tpu.memory_space<vmem>>
        %dma_start3A_165 = arith.constant 0 : i32
        %dma_start3A_166 = arith.constant 0 : i32
        %dma_start3A_167 = tpu.memref_slice %arg13[%dma_start3A_165, %dma_start3A_166] : memref<10240x128xf32, #tpu.memory_space<vmem_shared>> -> memref<10240x128xf32, #tpu.memory_space<vmem_shared>>
        tpu.enqueue_indirect_dma source(%arg12 : memref<80x128xf32, #tpu.memory_space<vmem>>) target(%dma_start3A_167 : memref<10240x128xf32, #tpu.memory_space<vmem_shared>>) offsets(%dma_start3A_164 : memref<80xi32, #tpu.memory_space<vmem>>) semaphore(%arg19 : memref<!tpu.dma_semaphore, #tpu.memory_space<semaphore_mem>>) {add = true}
        %add3A_168 = arith.constant 1 : i32
        %add3A_169 = arith.addi %add3A_141, %add3A_168 : i32
        %dma_wait3A_170 = arith.constant 0 : i32
        %dma_wait3A_171 = arith.constant 0 : i32
        %dma_wait3A_172 = tpu.memref_slice %arg7[%dma_wait3A_170, %dma_wait3A_171] : memref<25x80xi32, #tpu.memory_space<vmem>> -> memref<1x80xi32, #tpu.memory_space<vmem>>
        %dma_wait3A_173 = tpu.memref_squeeze %dma_wait3A_172 : memref<1x80xi32, #tpu.memory_space<vmem>> -> memref<80xi32, #tpu.memory_space<vmem>>
        %dma_wait3A_174 = arith.constant 0 : i32
        %dma_wait3A_175 = arith.constant 0 : i32
        %dma_wait3A_176 = tpu.memref_slice %arg13[%dma_wait3A_174, %dma_wait3A_175] : memref<10240x128xf32, #tpu.memory_space<vmem_shared>> -> memref<10240x128xf32, #tpu.memory_space<vmem_shared>>
        tpu.wait_indirect_dma semaphore(%arg18 : memref<!tpu.dma_semaphore, #tpu.memory_space<semaphore_mem>>) src(%arg11 : memref<80x128xf32, #tpu.memory_space<vmem>>) dst(%dma_wait3A_176 : memref<10240x128xf32, #tpu.memory_space<vmem_shared>>)
        %add3A_177 = arith.constant 1 : i32
        %add3A_178 = arith.addi %add3A_169, %add3A_177 : i32
        %mul3A_179 = arith.constant 80 : i32
        %mul3A_180 = arith.muli %add3A_178, %mul3A_179 : i32
        %dma_start3A_181 = tpu.memref_slice %arg8[%mul3A_180] : memref<2000xi32, #tpu.memory_space<vmem>> -> memref<80xi32, #tpu.memory_space<vmem>>
        %dma_start3A_182 = arith.constant 0 : i32
        %dma_start3A_183 = arith.constant 0 : i32
        %dma_start3A_184 = tpu.memref_slice %arg2[%dma_start3A_182, %dma_start3A_183] : memref<10000x128xf32, #tpu.memory_space<hbm>> -> memref<10000x128xf32, #tpu.memory_space<hbm>>
        tpu.enqueue_indirect_dma source(%dma_start3A_184 : memref<10000x128xf32, #tpu.memory_space<hbm>>) target(%arg11 : memref<80x128xf32, #tpu.memory_space<vmem>>) offsets(%dma_start3A_181 : memref<80xi32, #tpu.memory_space<vmem>>) semaphore(%arg15 : memref<!tpu.dma_semaphore, #tpu.memory_space<semaphore_mem>>)
        %dma_wait3A_185 = arith.constant 0 : i32
        %dma_wait3A_186 = tpu.memref_slice %arg8[%dma_wait3A_185] : memref<2000xi32, #tpu.memory_space<vmem>> -> memref<80xi32, #tpu.memory_space<vmem>>
        %dma_wait3A_187 = arith.constant 0 : i32
        %dma_wait3A_188 = arith.constant 0 : i32
        %dma_wait3A_189 = tpu.memref_slice %arg2[%dma_wait3A_187, %dma_wait3A_188] : memref<10000x128xf32, #tpu.memory_space<hbm>> -> memref<10000x128xf32, #tpu.memory_space<hbm>>
        tpu.wait_indirect_dma semaphore(%arg14 : memref<!tpu.dma_semaphore, #tpu.memory_space<semaphore_mem>>) src(%dma_wait3A_189 : memref<10000x128xf32, #tpu.memory_space<hbm>>) dst(%arg10 : memref<80x128xf32, #tpu.memory_space<vmem>>)
        %dma_start3A_190 = arith.constant 0 : i32
        %dma_start3A_191 = tpu.memref_slice %arg7[%add3A_169, %dma_start3A_190] : memref<25x80xi32, #tpu.memory_space<vmem>> -> memref<1x80xi32, #tpu.memory_space<vmem>>
        %dma_start3A_192 = tpu.memref_squeeze %dma_start3A_191 : memref<1x80xi32, #tpu.memory_space<vmem>> -> memref<80xi32, #tpu.memory_space<vmem>>
        %dma_start3A_193 = arith.constant 0 : i32
        %dma_start3A_194 = arith.constant 0 : i32
        %dma_start3A_195 = tpu.memref_slice %arg13[%dma_start3A_193, %dma_start3A_194] : memref<10240x128xf32, #tpu.memory_space<vmem_shared>> -> memref<10240x128xf32, #tpu.memory_space<vmem_shared>>
        tpu.enqueue_indirect_dma source(%arg10 : memref<80x128xf32, #tpu.memory_space<vmem>>) target(%dma_start3A_195 : memref<10240x128xf32, #tpu.memory_space<vmem_shared>>) offsets(%dma_start3A_192 : memref<80xi32, #tpu.memory_space<vmem>>) semaphore(%arg17 : memref<!tpu.dma_semaphore, #tpu.memory_space<semaphore_mem>>) {add = true}
        %add3A_196 = arith.constant 2 : i32
        %add3A_197 = arith.addi %add3A_141, %add3A_196 : i32
        %dma_wait3A_198 = arith.constant 0 : i32
        %dma_wait3A_199 = arith.constant 0 : i32
        %dma_wait3A_200 = tpu.memref_slice %arg7[%dma_wait3A_198, %dma_wait3A_199] : memref<25x80xi32, #tpu.memory_space<vmem>> -> memref<1x80xi32, #tpu.memory_space<vmem>>
        %dma_wait3A_201 = tpu.memref_squeeze %dma_wait3A_200 : memref<1x80xi32, #tpu.memory_space<vmem>> -> memref<80xi32, #tpu.memory_space<vmem>>
        %dma_wait3A_202 = arith.constant 0 : i32
        %dma_wait3A_203 = arith.constant 0 : i32
        %dma_wait3A_204 = tpu.memref_slice %arg13[%dma_wait3A_202, %dma_wait3A_203] : memref<10240x128xf32, #tpu.memory_space<vmem_shared>> -> memref<10240x128xf32, #tpu.memory_space<vmem_shared>>
        tpu.wait_indirect_dma semaphore(%arg19 : memref<!tpu.dma_semaphore, #tpu.memory_space<semaphore_mem>>) src(%arg12 : memref<80x128xf32, #tpu.memory_space<vmem>>) dst(%dma_wait3A_204 : memref<10240x128xf32, #tpu.memory_space<vmem_shared>>)
        %add3A_205 = arith.constant 1 : i32
        %add3A_206 = arith.addi %add3A_197, %add3A_205 : i32
        %mul3A_207 = arith.constant 80 : i32
        %mul3A_208 = arith.muli %add3A_206, %mul3A_207 : i32
        %dma_start3A_209 = tpu.memref_slice %arg8[%mul3A_208] : memref<2000xi32, #tpu.memory_space<vmem>> -> memref<80xi32, #tpu.memory_space<vmem>>
        %dma_start3A_210 = arith.constant 0 : i32
        %dma_start3A_211 = arith.constant 0 : i32
        %dma_start3A_212 = tpu.memref_slice %arg2[%dma_start3A_210, %dma_start3A_211] : memref<10000x128xf32, #tpu.memory_space<hbm>> -> memref<10000x128xf32, #tpu.memory_space<hbm>>
        tpu.enqueue_indirect_dma source(%dma_start3A_212 : memref<10000x128xf32, #tpu.memory_space<hbm>>) target(%arg12 : memref<80x128xf32, #tpu.memory_space<vmem>>) offsets(%dma_start3A_209 : memref<80xi32, #tpu.memory_space<vmem>>) semaphore(%arg16 : memref<!tpu.dma_semaphore, #tpu.memory_space<semaphore_mem>>)
        %dma_wait3A_213 = arith.constant 0 : i32
        %dma_wait3A_214 = tpu.memref_slice %arg8[%dma_wait3A_213] : memref<2000xi32, #tpu.memory_space<vmem>> -> memref<80xi32, #tpu.memory_space<vmem>>
        %dma_wait3A_215 = arith.constant 0 : i32
        %dma_wait3A_216 = arith.constant 0 : i32
        %dma_wait3A_217 = tpu.memref_slice %arg2[%dma_wait3A_215, %dma_wait3A_216] : memref<10000x128xf32, #tpu.memory_space<hbm>> -> memref<10000x128xf32, #tpu.memory_space<hbm>>
        tpu.wait_indirect_dma semaphore(%arg15 : memref<!tpu.dma_semaphore, #tpu.memory_space<semaphore_mem>>) src(%dma_wait3A_217 : memref<10000x128xf32, #tpu.memory_space<hbm>>) dst(%arg11 : memref<80x128xf32, #tpu.memory_space<vmem>>)
        %dma_start3A_218 = arith.constant 0 : i32
        %dma_start3A_219 = tpu.memref_slice %arg7[%add3A_197, %dma_start3A_218] : memref<25x80xi32, #tpu.memory_space<vmem>> -> memref<1x80xi32, #tpu.memory_space<vmem>>
        %dma_start3A_220 = tpu.memref_squeeze %dma_start3A_219 : memref<1x80xi32, #tpu.memory_space<vmem>> -> memref<80xi32, #tpu.memory_space<vmem>>
        %dma_start3A_221 = arith.constant 0 : i32
        %dma_start3A_222 = arith.constant 0 : i32
        %dma_start3A_223 = tpu.memref_slice %arg13[%dma_start3A_221, %dma_start3A_222] : memref<10240x128xf32, #tpu.memory_space<vmem_shared>> -> memref<10240x128xf32, #tpu.memory_space<vmem_shared>>
        tpu.enqueue_indirect_dma source(%arg11 : memref<80x128xf32, #tpu.memory_space<vmem>>) target(%dma_start3A_223 : memref<10240x128xf32, #tpu.memory_space<vmem_shared>>) offsets(%dma_start3A_220 : memref<80xi32, #tpu.memory_space<vmem>>) semaphore(%arg18 : memref<!tpu.dma_semaphore, #tpu.memory_space<semaphore_mem>>) {add = true}
      }
      %scan3A_75 = arith.constant 7 : i32
      %dma_wait3A_76 = arith.constant 0 : i32
      %dma_wait3A_77 = arith.constant 0 : i32
      %dma_wait3A_78 = tpu.memref_slice %arg7[%dma_wait3A_76, %dma_wait3A_77] : memref<25x80xi32, #tpu.memory_space<vmem>> -> memref<1x80xi32, #tpu.memory_space<vmem>>
      %dma_wait3A_79 = tpu.memref_squeeze %dma_wait3A_78 : memref<1x80xi32, #tpu.memory_space<vmem>> -> memref<80xi32, #tpu.memory_space<vmem>>
      %dma_wait3A_80 = arith.constant 0 : i32
      %dma_wait3A_81 = arith.constant 0 : i32
      %dma_wait3A_82 = tpu.memref_slice %arg13[%dma_wait3A_80, %dma_wait3A_81] : memref<10240x128xf32, #tpu.memory_space<vmem_shared>> -> memref<10240x128xf32, #tpu.memory_space<vmem_shared>>
      tpu.wait_indirect_dma semaphore(%arg17 : memref<!tpu.dma_semaphore, #tpu.memory_space<semaphore_mem>>) src(%arg10 : memref<80x128xf32, #tpu.memory_space<vmem>>) dst(%dma_wait3A_82 : memref<10240x128xf32, #tpu.memory_space<vmem_shared>>)
      %dma_start3A_83 = arith.constant 1920 : i32
      %dma_start3A_84 = tpu.memref_slice %arg8[%dma_start3A_83] : memref<2000xi32, #tpu.memory_space<vmem>> -> memref<80xi32, #tpu.memory_space<vmem>>
      %dma_start3A_85 = arith.constant 0 : i32
      %dma_start3A_86 = arith.constant 0 : i32
      %dma_start3A_87 = tpu.memref_slice %arg2[%dma_start3A_85, %dma_start3A_86] : memref<10000x128xf32, #tpu.memory_space<hbm>> -> memref<10000x128xf32, #tpu.memory_space<hbm>>
      tpu.enqueue_indirect_dma source(%dma_start3A_87 : memref<10000x128xf32, #tpu.memory_space<hbm>>) target(%arg10 : memref<80x128xf32, #tpu.memory_space<vmem>>) offsets(%dma_start3A_84 : memref<80xi32, #tpu.memory_space<vmem>>) semaphore(%arg14 : memref<!tpu.dma_semaphore, #tpu.memory_space<semaphore_mem>>)
      %dma_wait3A_88 = arith.constant 0 : i32
      %dma_wait3A_89 = tpu.memref_slice %arg8[%dma_wait3A_88] : memref<2000xi32, #tpu.memory_space<vmem>> -> memref<80xi32, #tpu.memory_space<vmem>>
      %dma_wait3A_90 = arith.constant 0 : i32
      %dma_wait3A_91 = arith.constant 0 : i32
      %dma_wait3A_92 = tpu.memref_slice %arg2[%dma_wait3A_90, %dma_wait3A_91] : memref<10000x128xf32, #tpu.memory_space<hbm>> -> memref<10000x128xf32, #tpu.memory_space<hbm>>
      tpu.wait_indirect_dma semaphore(%arg16 : memref<!tpu.dma_semaphore, #tpu.memory_space<semaphore_mem>>) src(%dma_wait3A_92 : memref<10000x128xf32, #tpu.memory_space<hbm>>) dst(%arg12 : memref<80x128xf32, #tpu.memory_space<vmem>>)
      %dma_start3A_93 = arith.constant 23 : i32
      %dma_start3A_94 = arith.constant 0 : i32
      %dma_start3A_95 = tpu.memref_slice %arg7[%dma_start3A_93, %dma_start3A_94] : memref<25x80xi32, #tpu.memory_space<vmem>> -> memref<1x80xi32, #tpu.memory_space<vmem>>
      %dma_start3A_96 = tpu.memref_squeeze %dma_start3A_95 : memref<1x80xi32, #tpu.memory_space<vmem>> -> memref<80xi32, #tpu.memory_space<vmem>>
      %dma_start3A_97 = arith.constant 0 : i32
      %dma_start3A_98 = arith.constant 0 : i32
      %dma_start3A_99 = tpu.memref_slice %arg13[%dma_start3A_97, %dma_start3A_98] : memref<10240x128xf32, #tpu.memory_space<vmem_shared>> -> memref<10240x128xf32, #tpu.memory_space<vmem_shared>>
      tpu.enqueue_indirect_dma source(%arg12 : memref<80x128xf32, #tpu.memory_space<vmem>>) target(%dma_start3A_99 : memref<10240x128xf32, #tpu.memory_space<vmem_shared>>) offsets(%dma_start3A_96 : memref<80xi32, #tpu.memory_space<vmem>>) semaphore(%arg19 : memref<!tpu.dma_semaphore, #tpu.memory_space<semaphore_mem>>) {add = true}
      %dma_wait3A_100 = arith.constant 0 : i32
      %dma_wait3A_101 = arith.constant 0 : i32
      %dma_wait3A_102 = tpu.memref_slice %arg7[%dma_wait3A_100, %dma_wait3A_101] : memref<25x80xi32, #tpu.memory_space<vmem>> -> memref<1x80xi32, #tpu.memory_space<vmem>>
      %dma_wait3A_103 = tpu.memref_squeeze %dma_wait3A_102 : memref<1x80xi32, #tpu.memory_space<vmem>> -> memref<80xi32, #tpu.memory_space<vmem>>
      %dma_wait3A_104 = arith.constant 0 : i32
      %dma_wait3A_105 = arith.constant 0 : i32
      %dma_wait3A_106 = tpu.memref_slice %arg13[%dma_wait3A_104, %dma_wait3A_105] : memref<10240x128xf32, #tpu.memory_space<vmem_shared>> -> memref<10240x128xf32, #tpu.memory_space<vmem_shared>>
      tpu.wait_indirect_dma semaphore(%arg18 : memref<!tpu.dma_semaphore, #tpu.memory_space<semaphore_mem>>) src(%arg11 : memref<80x128xf32, #tpu.memory_space<vmem>>) dst(%dma_wait3A_106 : memref<10240x128xf32, #tpu.memory_space<vmem_shared>>)
      %dma_wait3A_107 = arith.constant 0 : i32
      %dma_wait3A_108 = tpu.memref_slice %arg8[%dma_wait3A_107] : memref<2000xi32, #tpu.memory_space<vmem>> -> memref<80xi32, #tpu.memory_space<vmem>>
      %dma_wait3A_109 = arith.constant 0 : i32
      %dma_wait3A_110 = arith.constant 0 : i32
      %dma_wait3A_111 = tpu.memref_slice %arg2[%dma_wait3A_109, %dma_wait3A_110] : memref<10000x128xf32, #tpu.memory_space<hbm>> -> memref<10000x128xf32, #tpu.memory_space<hbm>>
      tpu.wait_indirect_dma semaphore(%arg14 : memref<!tpu.dma_semaphore, #tpu.memory_space<semaphore_mem>>) src(%dma_wait3A_111 : memref<10000x128xf32, #tpu.memory_space<hbm>>) dst(%arg10 : memref<80x128xf32, #tpu.memory_space<vmem>>)
      %dma_start3A_112 = arith.constant 24 : i32
      %dma_start3A_113 = arith.constant 0 : i32
      %dma_start3A_114 = tpu.memref_slice %arg7[%dma_start3A_112, %dma_start3A_113] : memref<25x80xi32, #tpu.memory_space<vmem>> -> memref<1x80xi32, #tpu.memory_space<vmem>>
      %dma_start3A_115 = tpu.memref_squeeze %dma_start3A_114 : memref<1x80xi32, #tpu.memory_space<vmem>> -> memref<80xi32, #tpu.memory_space<vmem>>
      %dma_start3A_116 = arith.constant 0 : i32
      %dma_start3A_117 = arith.constant 0 : i32
      %dma_start3A_118 = tpu.memref_slice %arg13[%dma_start3A_116, %dma_start3A_117] : memref<10240x128xf32, #tpu.memory_space<vmem_shared>> -> memref<10240x128xf32, #tpu.memory_space<vmem_shared>>
      tpu.enqueue_indirect_dma source(%arg10 : memref<80x128xf32, #tpu.memory_space<vmem>>) target(%dma_start3A_118 : memref<10240x128xf32, #tpu.memory_space<vmem_shared>>) offsets(%dma_start3A_115 : memref<80xi32, #tpu.memory_space<vmem>>) semaphore(%arg17 : memref<!tpu.dma_semaphore, #tpu.memory_space<semaphore_mem>>) {add = true}
      %dma_wait3A_119 = arith.constant 0 : i32
      %dma_wait3A_120 = arith.constant 0 : i32
      %dma_wait3A_121 = tpu.memref_slice %arg7[%dma_wait3A_119, %dma_wait3A_120] : memref<25x80xi32, #tpu.memory_space<vmem>> -> memref<1x80xi32, #tpu.memory_space<vmem>>
      %dma_wait3A_122 = tpu.memref_squeeze %dma_wait3A_121 : memref<1x80xi32, #tpu.memory_space<vmem>> -> memref<80xi32, #tpu.memory_space<vmem>>
      %dma_wait3A_123 = arith.constant 0 : i32
      %dma_wait3A_124 = arith.constant 0 : i32
      %dma_wait3A_125 = tpu.memref_slice %arg13[%dma_wait3A_123, %dma_wait3A_124] : memref<10240x128xf32, #tpu.memory_space<vmem_shared>> -> memref<10240x128xf32, #tpu.memory_space<vmem_shared>>
      tpu.wait_indirect_dma semaphore(%arg19 : memref<!tpu.dma_semaphore, #tpu.memory_space<semaphore_mem>>) src(%arg12 : memref<80x128xf32, #tpu.memory_space<vmem>>) dst(%dma_wait3A_125 : memref<10240x128xf32, #tpu.memory_space<vmem_shared>>)
      %dma_wait3A_126 = arith.constant 0 : i32
      %dma_wait3A_127 = arith.constant 0 : i32
      %dma_wait3A_128 = tpu.memref_slice %arg7[%dma_wait3A_126, %dma_wait3A_127] : memref<25x80xi32, #tpu.memory_space<vmem>> -> memref<1x80xi32, #tpu.memory_space<vmem>>
      %dma_wait3A_129 = tpu.memref_squeeze %dma_wait3A_128 : memref<1x80xi32, #tpu.memory_space<vmem>> -> memref<80xi32, #tpu.memory_space<vmem>>
      %dma_wait3A_130 = arith.constant 0 : i32
      %dma_wait3A_131 = arith.constant 0 : i32
      %dma_wait3A_132 = tpu.memref_slice %arg13[%dma_wait3A_130, %dma_wait3A_131] : memref<10240x128xf32, #tpu.memory_space<vmem_shared>> -> memref<10240x128xf32, #tpu.memory_space<vmem_shared>>
      tpu.wait_indirect_dma semaphore(%arg17 : memref<!tpu.dma_semaphore, #tpu.memory_space<semaphore_mem>>) src(%arg10 : memref<80x128xf32, #tpu.memory_space<vmem>>) dst(%dma_wait3A_132 : memref<10240x128xf32, #tpu.memory_space<vmem_shared>>)
    }
    %scan3A_17 = arith.constant 5 : i32
    %barrier3A_18 = arith.constant 0 : index
    tpu.barrier barrier_id(%barrier3A_18)
    %mul3A_19 = arith.constant 640 : i32
    %mul3A_20 = arith.muli %arg1, %mul3A_19 : i32
    %mul3A_21 = arith.constant 640 : i32
    %mul3A_22 = arith.muli %arg1, %mul3A_21 : i32
    "tpu.region"() ({
      %run_scoped3A = tpu.sem_alloc : memref<!tpu.dma_semaphore, #tpu.memory_space<semaphore_mem>>
      %dma_start3A = arith.constant 0 : i32
      %dma_start3A_23 = tpu.memref_slice %arg6[%arg0, %mul3A_22, %dma_start3A] : memref<2x10240x128xf32, #tpu.memory_space<hbm>> -> memref<1x640x128xf32, #tpu.memory_space<hbm>>
      %dma_start3A_24 = tpu.memref_squeeze %dma_start3A_23 : memref<1x640x128xf32, #tpu.memory_space<hbm>> -> memref<640x128xf32, #tpu.memory_space<hbm>>
      %dma_start3A_25 = arith.constant 0 : i32
      %dma_start3A_26 = tpu.memref_slice %arg13[%mul3A_20, %dma_start3A_25] : memref<10240x128xf32, #tpu.memory_space<vmem_shared>> -> memref<640x128xf32, #tpu.memory_space<vmem_shared>>
      tpu.enqueue_dma source(%dma_start3A_26 : memref<640x128xf32, #tpu.memory_space<vmem_shared>>) target(%dma_start3A_24 : memref<640x128xf32, #tpu.memory_space<hbm>>) target_semaphore(%run_scoped3A : memref<!tpu.dma_semaphore, #tpu.memory_space<semaphore_mem>>)
      %dma_wait3A = arith.constant 0 : i32
      %dma_wait3A_27 = tpu.memref_slice %arg6[%arg0, %mul3A_22, %dma_wait3A] : memref<2x10240x128xf32, #tpu.memory_space<hbm>> -> memref<1x640x128xf32, #tpu.memory_space<hbm>>
      %dma_wait3A_28 = tpu.memref_squeeze %dma_wait3A_27 : memref<1x640x128xf32, #tpu.memory_space<hbm>> -> memref<640x128xf32, #tpu.memory_space<hbm>>
      %dma_wait3A_29 = arith.constant 0 : i32
      %dma_wait3A_30 = tpu.memref_slice %arg13[%mul3A_20, %dma_wait3A_29] : memref<10240x128xf32, #tpu.memory_space<vmem_shared>> -> memref<640x128xf32, #tpu.memory_space<vmem_shared>>
      tpu.wait_dma2 semaphore(%run_scoped3A : memref<!tpu.dma_semaphore, #tpu.memory_space<semaphore_mem>>) src(%dma_wait3A_30 : memref<640x128xf32, #tpu.memory_space<vmem_shared>>) dst(%dma_wait3A_28 : memref<640x128xf32, #tpu.memory_space<hbm>>)
      tpu.yield
    }) : () -> ()
    return
  }
}

module attributes {stable_mosaic.version = 14 : i64} {
  func.func @_tc_body(%arg0: i32, %arg1: memref<1000x128xf32, #tpu.memory_space<vmem>>, %arg2: memref<1x1000x128xf32, #tpu.memory_space<vmem>>, %arg3: memref<1x1000x128xf32, #tpu.memory_space<vmem>>, %arg4: memref<128x128xf32, #tpu.memory_space<vmem>>, %arg5: memref<1x128xf32, #tpu.memory_space<vmem>>, %arg6: memref<1000x128xf32, #tpu.memory_space<vmem>>) attributes {dimension_semantics = [#tpu.dimension_semantics<arbitrary>], iteration_bounds = array<i64: 10>, scalar_prefetch = 0 : i64, scratch_operands = 0 : i64, tpu.core_type = #tpu.core_type<tc>, window_params = [{transform_indices = @transform_0, window_bounds = array<i64: 1000, 128>}, {transform_indices = @transform_1, window_bounds = array<i64: 1, 1000, 128>}, {transform_indices = @transform_2, window_bounds = array<i64: 1, 1000, 128>}, {pipeline_mode = #tpu.pipeline_mode<synchronous>, transform_indices = @transform_3, window_bounds = array<i64: 128, 128>}, {pipeline_mode = #tpu.pipeline_mode<synchronous>, transform_indices = @transform_4, window_bounds = array<i64: 1, 128>}, {transform_indices = @transform_5, window_bounds = array<i64: 1000, 128>}]} {
    %get3A = arith.constant 0 : index
    %get3A_0 = arith.constant 0 : index
    %get3A_1 = vector.load %arg1[%get3A, %get3A_0] : memref<1000x128xf32, #tpu.memory_space<vmem>>, vector<1000x128xf32>
    %get3A_2 = arith.constant 0 : index
    %get3A_3 = arith.constant 0 : index
    %get3A_4 = arith.constant 0 : index
    %get3A_5 = vector.load %arg2[%get3A_2, %get3A_3, %get3A_4] : memref<1x1000x128xf32, #tpu.memory_space<vmem>>, vector<1x1000x128xf32>
    %squeeze3A = vector.shape_cast %get3A_5 : vector<1x1000x128xf32> to vector<1000x128xf32>
    %add3A = arith.addf %get3A_1, %squeeze3A : vector<1000x128xf32>
    %get3A_6 = arith.constant 0 : index
    %get3A_7 = arith.constant 0 : index
    %get3A_8 = arith.constant 0 : index
    %get3A_9 = vector.load %arg3[%get3A_6, %get3A_7, %get3A_8] : memref<1x1000x128xf32, #tpu.memory_space<vmem>>, vector<1x1000x128xf32>
    %squeeze3A_10 = vector.shape_cast %get3A_9 : vector<1x1000x128xf32> to vector<1000x128xf32>
    %add3A_11 = arith.addf %add3A, %squeeze3A_10 : vector<1000x128xf32>
    %get3A_12 = arith.constant 0 : index
    %get3A_13 = arith.constant 0 : index
    %get3A_14 = vector.load %arg4[%get3A_12, %get3A_13] : memref<128x128xf32, #tpu.memory_space<vmem>>, vector<128x128xf32>
    %dot_general3A = arith.constant dense<0.000000e+00> : vector<1000x128xf32>
    %dot_general3A_15 = tpu.matmul %add3A_11, %get3A_14, %dot_general3A {dimension_numbers = #tpu.dot_dimension_numbers<[1], [1], [0], [0], [0, 0, 1, 0], [], []>, transpose_lhs_hint = false} : vector<1000x128xf32>, vector<128x128xf32>, vector<1000x128xf32> -> vector<1000x128xf32>
    %get3A_16 = arith.constant 0 : index
    %get3A_17 = arith.constant 0 : index
    %get3A_18 = vector.load %arg5[%get3A_16, %get3A_17] : memref<1x128xf32, #tpu.memory_space<vmem>>, vector<1x128xf32>
    %add3A_19 = vector.broadcast %get3A_18 : vector<1x128xf32> to vector<1000x128xf32>
    %add3A_20 = arith.addf %dot_general3A_15, %add3A_19 : vector<1000x128xf32>
    %ge3A = arith.constant 0.000000e+00 : f32
    %ge3A_21 = vector.broadcast %ge3A : f32 to vector<1000x128xf32>
    %ge3A_22 = arith.cmpf oge, %add3A_20, %ge3A_21 : vector<1000x128xf32>
    %mul3A = arith.constant 0.00999999977 : f32
    %mul3A_23 = vector.broadcast %mul3A : f32 to vector<1000x128xf32>
    %mul3A_24 = arith.mulf %mul3A_23, %add3A_20 : vector<1000x128xf32>
    %select_n3A = arith.select %ge3A_22, %add3A_20, %mul3A_24 : vector<1000x128xi1>, vector<1000x128xf32>
    %swap3A = arith.constant 0 : index
    %swap3A_25 = arith.constant 0 : index
    %swap3A_26 = vector.load %arg6[%swap3A, %swap3A_25] : memref<1000x128xf32, #tpu.memory_space<vmem>>, vector<1000x128xf32>
    tpu.vector_store %arg6[%swap3A, %swap3A_25], %select_n3A {strides = array<i32>} : memref<1000x128xf32, #tpu.memory_space<vmem>>, vector<1000x128xf32>,
    return
  }
  func.func @transform_0(%arg0: i32) -> (i32, i32) {
    %c0_i32 = arith.constant 0 : i32
    %c0_i32_0 = arith.constant 0 : i32
    return %arg0, %c0_i32 : i32, i32
  }
  func.func @transform_1(%arg0: i32) -> (i32, i32, i32) {
    %c0_i32 = arith.constant 0 : i32
    %c0_i32_0 = arith.constant 0 : i32
    %c0_i32_1 = arith.constant 0 : i32
    return %c0_i32, %arg0, %c0_i32_0 : i32, i32, i32
  }
  func.func @transform_2(%arg0: i32) -> (i32, i32, i32) {
    %c1_i32 = arith.constant 1 : i32
    %c0_i32 = arith.constant 0 : i32
    %c0_i32_0 = arith.constant 0 : i32
    return %c1_i32, %arg0, %c0_i32 : i32, i32, i32
  }
  func.func @transform_3(%arg0: i32) -> (i32, i32) {
    %c0_i32 = arith.constant 0 : i32
    %c0_i32_0 = arith.constant 0 : i32
    %c0_i32_1 = arith.constant 0 : i32
    return %c0_i32, %c0_i32_0 : i32, i32
  }
  func.func @transform_4(%arg0: i32) -> (i32, i32) {
    %c0_i32 = arith.constant 0 : i32
    %c0_i32_0 = arith.constant 0 : i32
    %c0_i32_1 = arith.constant 0 : i32
    return %c0_i32, %c0_i32_0 : i32, i32
  }
  func.func @transform_5(%arg0: i32) -> (i32, i32) {
    %c0_i32 = arith.constant 0 : i32
    %c0_i32_0 = arith.constant 0 : i32
    return %arg0, %c0_i32 : i32, i32
  }
}

</mosaic_0001>

<sc_bundles>
// kernel: kernel.4.cloned.1.call-start
scs
__scs_entry_jumppad:
0x0: {  	(pc) =	sbr.rel $0x88, $3  }
0x1: {  	(tag) =	ssettag $0x0;
	lr =	simm.s32 $0x1  }
0x2: {  	[smem:$0x3F9C] =	sst lr;
	_ =	strace $0xD0000000  }
0x3: {  	_ = 	snop  }
0x4: {  	_ = 	snop  }
0x5: {  	_ = 	snop  }
0x6: {  	_ = 	snop  }
0x7: {  	_ = 	snop  }
__scs_overlays_trampoline_lowered:
0x8: {  	[smem:$0x3FAB] =	sst s0  }
0x9: {  	[smem:$0x3FAC] =	sst s1  }
0xa: {  	[smem:$0x3FAD] =	sst s2  }
0xb: {  	[smem:$0x3FAE] =	sst s3  }
0xc: {  	[smem:$0x3FAF] =	sst s4  }
0xd: {  	[smem:$0x3FB0] =	sst s5  }
0xe: {  	[smem:$0x3FB1] =	sst s6  }
0xf: {  	[smem:$0x3FB2] =	sst s7  }
0x10: {  	[smem:$0x3FB3] =	sst s8  }
0x11: {  	[smem:$0x3FB4] =	sst s9;
	s0 =	simm.s32 @!p0 $0x0  }
0x12: {  	s1 =	sld [smem:$0x3F9A];
	s0 =	simm.s32 @p0 $0x1  }
0x13: {  	[smem:$0x3FB5] =	sst s0;
	s0 =	simm.s32 @!p1 $0x0  }
0x14: {  	s2 =	sld [smem:$0x3F99];
	s0 =	simm.s32 @p1 $0x1  }
0x15: {  	[smem:$0x3FB6] =	sst s0;
	s0 =	simm.s32 @!p2 $0x0  }
0x16: {  	s3 =	sld [smem:$0x3FDB];
	s0 =	simm.s32 @p2 $0x1  }
0x17: {  	s4 =	simm.s32 $0x1BF5;
	[smem:$0x3FB8] =	sst s0  }
0x18: {  	s0 =	sld [smem:$0x3F9B];
	_ =	swait.ge [sflag:s4], $0x0  }
0x19: {  	s7 =	sld [smem:$0x3F9C]  }
0x1a: {  	s8 =	sadd.s32 $0xFFFFE003, lr  }
0x1b: {  	s9 =	sadd.s32 $0xFFFFFEF7, lr;
	s5 =	simm.s32 $0xFFFFFFFF;
	p2 =	slt.u32 s8, $0xFFFFF086  }
0x1c: {  	p1 =	slt.u32 s9, $0xF7A;
	s5 =	simm.s32 @!p2 $0x0  }
0x1d: {  	s5 =	simm.s32 @p1 $0x1;
	p0 =	seq.s32 s7, s2  }
0x1e: {  	s7 =	smul.u32 @!p0 $0xF7A, s2;
	p2 =	seq.s32 @!p0 s5, $0x0  }
0x1f: {  	s9 =	smul.u32 $0xF7A, s1;
	s8 =	simm.s32 @!p0 $0x1BF5;
	p2 =	por !p2, p0  }
0x20: {  	[sflag:s8] =	ssyncset.s32 @!p0 $0xFFFFF086;
	s6 =	sadd.s32 @!p0 s3, s7;
	s7 =	simm.s32 @!p0 $0x108  }
0x21: {  	s3 =	sadd.s32 s3, s9;
	s6 =	sadd.s32 @!p0 $0x88, s6;
	s7 =	simm.s32 @p2 $0x1082  }
0x22: {  	[simem:s7], [sflag:s8] =	dma.local @!p0 [hbm:s6], $0xF7A  }
0x23: {  	s9 =	sor.u32 $0xD0000000, s2;
	s6 =	simm.s32 $0x108;
	_ =	swait.ge @!p0 [sflag:s8], $0x0  }
0x24: {  	s3 =	sadd.s32 $0x88, s3;
	s6 =	simm.s32 @!p1 $0x1082;
	[sflag:s4] =	ssyncset.s32 $0xFFFFF086  }
0x25: {  	[simem:s6], [sflag:s4] =	dma.local [hbm:s3], $0xF7A  }
0x26: {  	[smem:$0x3F9C] =	sst s1;
	(tag) =	ssettag s2;
	_ =	strace s9  }
0x27: {  	s1 =	sld [smem:$0x3FAC]  }
0x28: {  	s2 =	sld [smem:$0x3FAD]  }
0x29: {  	s4 =	sld [smem:$0x3FAF]  }
0x2a: {  	p0 =	seq.s32 s5, $0x0;
	s5 =	sld [smem:$0x3FB0]  }
0x2b: {  	s6 =	sld [smem:$0x3FB1]  }
0x2c: {  	s7 =	sld [smem:$0x3FB2]  }
0x2d: {  	s3 =	simm.s32 $0x108;
	s8 =	sld [smem:$0x3FB3]  }
0x2e: {  	s3 =	simm.s32 @!p0 $0x1082;
	s9 =	sld [smem:$0x3FB4]  }
0x2f: {  	lr =	sadd.s32 s0, s3;
	s0 =	sld [smem:$0x3FAB]  }
0x30: {  	s3 =	sld [smem:$0x3FAE]  }
0x31: {  	[smem:$0x3FB7] =	sst s10  }
0x32: {  	s10 =	sld [smem:$0x3FB5];
	_ =	sdelay $0x3  }
0x33: {  	p0 =	seq.s32 s10, $0x1;
	s10 =	sld [smem:$0x3FB7];
	_ =	sdelay $0x3  }
0x34: {  	[smem:$0x3FB7] =	sst s10  }
0x35: {  	s10 =	sld [smem:$0x3FB6];
	_ =	sdelay $0x3  }
0x36: {  	p1 =	seq.s32 s10, $0x1;
	s10 =	sld [smem:$0x3FB7];
	_ =	sdelay $0x3  }
0x37: {  	[smem:$0x3FB7] =	sst s10  }
0x38: {  	s10 =	sld [smem:$0x3FB8]  }
0x39: {  	_ = 	snop;
	(pc) =	sbr.ind lr, $3  }
0x3a: {  	_ = 	snop  }
0x3b: {  	_ = 	snop  }
0x3c: {  	p2 =	seq.s32 s10, $0x1;
	s10 =	sld [smem:$0x3FB7]  }
0x3d: {  	_ =	shalt  }
0x3e: {  	_ =	shalt  }
0x3f: {  	_ =	shalt  }
0x40: {  	_ =	shalt  }
0x41: {  	_ =	shalt  }
0x42: {  	_ =	shalt  }
0x43: {  	_ =	shalt  }
0x44: {  	_ =	shalt  }
0x45: {  	_ =	shalt  }
0x46: {  	_ =	shalt  }
0x47: {  	_ =	shalt  }
0x48: {  	_ =	shalt  }
0x49: {  	_ =	shalt  }
0x4a: {  	_ =	shalt  }
0x4b: {  	_ =	shalt  }
0x4c: {  	_ =	shalt  }
0x4d: {  	_ =	shalt  }
0x4e: {  	_ =	shalt  }
0x4f: {  	_ =	shalt  }
0x50: {  	_ =	shalt  }
0x51: {  	_ =	shalt  }
0x52: {  	_ =	shalt  }
0x53: {  	_ =	shalt  }
0x54: {  	_ =	shalt  }
0x55: {  	_ =	shalt  }
0x56: {  	_ =	shalt  }
0x57: {  	_ =	shalt  }
0x58: {  	_ =	shalt  }
0x59: {  	_ =	shalt  }
0x5a: {  	_ =	shalt  }
0x5b: {  	_ =	shalt  }
0x5c: {  	_ =	shalt  }
0x5d: {  	_ =	shalt  }
0x5e: {  	_ =	shalt  }
0x5f: {  	_ =	shalt  }
0x60: {  	_ =	shalt  }
0x61: {  	_ =	shalt  }
0x62: {  	_ =	shalt  }
0x63: {  	_ =	shalt  }
0x64: {  	_ =	shalt  }
0x65: {  	_ =	shalt  }
0x66: {  	_ =	shalt  }
0x67: {  	_ =	shalt  }
0x68: {  	_ =	shalt  }
0x69: {  	_ =	shalt  }
0x6a: {  	_ =	shalt  }
0x6b: {  	_ =	shalt  }
0x6c: {  	_ =	shalt  }
0x6d: {  	_ =	shalt  }
0x6e: {  	_ =	shalt  }
0x6f: {  	_ =	shalt  }
0x70: {  	_ =	shalt  }
0x71: {  	_ =	shalt  }
0x72: {  	_ =	shalt  }
0x73: {  	_ =	shalt  }
0x74: {  	_ =	shalt  }
0x75: {  	_ =	shalt  }
0x76: {  	_ =	shalt  }
0x77: {  	_ =	shalt  }
0x78: {  	_ =	shalt  }
0x79: {  	_ =	shalt  }
0x7a: {  	_ =	shalt  }
0x7b: {  	_ =	shalt  }
0x7c: {  	_ =	shalt  }
0x7d: {  	_ =	shalt  }
0x7e: {  	_ =	shalt  }
0x7f: {  	_ =	shalt  }
0x80: {  	_ =	shalt  }
0x81: {  	_ =	shalt  }
0x82: {  	_ =	shalt  }
0x83: {  	_ =	shalt  }
0x84: {  	_ =	shalt  }
0x85: {  	_ =	shalt  }
0x86: {  	_ =	shalt  }
0x87: {  	_ =	shalt  }
.Lfunc_end0:
.L_simem_size_0:
called_computation_lowered:
.L_overlay_start_0:
0x88: {  	s2 =	sld [smem:$0x3FD9]  }
0x89: {  	s3 =	sld [smem:$0x3FFE];
	_ =	sdelay $0x1  }
0x8a: {  	s1 =	srdreg.scid  }
0x8b: {  	s0 =	sand.u32 $0x1, s1  }
0x8c: {  	s17 =	sshll.u32 s0, $0xA;
	s2 =	sadd.s32 s3, s2  }
0x8d: {  	s2 =	sadd.s32 s2, s17  }
0x8e: {  	[smem:$0x3FC3] =	sst s2  }
0x8f: {  	_ = 	snop  }
0x90: {  	s2 =	sld [smem:$0x3FC9]  }
0x91: {  	s18 =	sld [smem:$0x3FC7]  }
0x92: {  	s4 =	sld [smem:$0x3FD0];
	(tm) =	ssettm $0x1  }
0x93: {  	s5 =	sld [smem:$0x3FFB];
	_ =	sdelay $0x3  }
0x94: {  	_ =	strace s5  }
0x95: {  	s5 =	sld [smem:$0x3FFC];
	_ =	sdelay $0x3  }
0x96: {  	_ =	strace s5  }
0x97: {  	s5 =	sld [smem:$0x3FFD];
	_ =	sdelay $0x3  }
0x98: {  	_ =	strace s5  }
0x99: {  	_ =	strace $0x8FFFFFFF  }
0x9a: {  	s19 =	sld [smem:$0x3FDB];
	_ =	sdelay $0x1  }
0x9b: {  	s6 =	simm.s32 $_scs_section_size  }
0x9c: {  	s7 =	simm.s32 $_size__tile_overlayer_lowered;
	s8 =	simm.s32 $_tile_overlayer_lowered  }
0x9d: {  	s22 =	simm.s32 $0x1BFF;
	s21 =	sshll.u32 s8, $0x1;
	s5 =	sadd.s32 s6, s19  }
0x9e: {  	s9 =	simm.s32 $0x0;
	s20 =	sshll.u32 s7, $0x1;
	s7 =	sadd.s32 s21, s5  }
0x9f: {  	[timem:s9], [sflag:s22] =	dma.local [hbm:s7], s20  }
0xa0: {  	_ =	swait.ge [sflag:s22], s20  }
0xa1: {  	s6 =	ssub.s32 $0x0, s20;
	[sflag:s22] =	ssyncset.done $0x0  }
0xa2: {  	[sflag:s22] =	ssyncadd.s32 s6;
	_ =	sdelay $0x1  }
0xa3: {  	s23 =	simm.s32 $0x1B8B  }
0xa4: {  	_ =	swait.ge [sflag:s23], $0x1  }
0xa5: {  	[sflag:s23] =	ssyncset.done $0x0  }
0xa6: {  	s25 =	simm.s32 $0x1B8E;
	s24 =	sld [smem:$0x3FFE];
	[sflag:s23] =	ssyncadd.s32 $0xFFFFFFFF  }
0xa7: {  	s26 =	simm.s32 $execute0_lowered;
	[smem:$0x3FD2] =	sst s25  }
0xa8: {  	s7 =	sshll.u32 s26, $0x1;
	_ =	strace $0x80000046;
	[dreg:$0x1] =	wrdreg $0xFFFFFFFF  }
0xa9: {  	s28 =	simm.s32 $_size_execute0_lowered;
	s5 =	sadd.s32 s5, s7;
	[dreg:$0x0] =	wrdreg $0x0  }
0xaa: {  	s7 =	sshll.u32 s28, $0x1;
	[dreg:$0x2] =	wrdreg s5  }
0xab: {  	[dreg:$0x3] =	wrdreg s7  }
0xac: {  	[dreg:$0x4] =	wrdreg $0xC0  }
0xad: {  	_ =	task [dreg:s9], $0x5FFFF  }
0xae: {  	[dreg:$0x1] =	wrdreg $0xFFFFFFFF  }
0xaf: {  	[dreg:$0x0] =	wrdreg $0x60  }
0xb0: {  	[dreg:$0x2] =	wrdreg s2  }
0xb1: {  	[dreg:$0x3] =	wrdreg s4  }
0xb2: {  	[dreg:$0x4] =	wrdreg s24  }
0xb3: {  	[dreg:$0x5] =	wrdreg s18  }
0xb4: {  	[dreg:$0x6] =	wrdreg $0x98000  }
0xb5: {  	[dreg:$0x7] =	wrdreg $0x9  }
0xb6: {  	_ =	task.clear_ibuf [dreg:s9], $0x8FFFF;
	_ =	strace $0x90000046  }
0xb7: {  	s29 =	simm.s32 $0x9;
	_ =	strace $0x80000048  }
0xb8: {  	_ =	swait.ge [sflag:s29], $0x1  }
0xb9: {  	[sflag:s29] =	ssyncadd.s32 $0xFFFFFFFF  }
0xba: {  	_ =	strace $0x90000048  }
0xbb: {  	_ =	sfence  }
0xbc: {  	s30 =	sld [smem:$0x0];
	_ =	sdelay $0x2  }
0xbd: {  	s31 =	sshll.u32 s1, $0xD;
	s1 =	sshrl.u32 s1, $0x2  }
0xbe: {  	s3 =	sand.u32 $0x4000, s31;
	s1 =	sadd.s32 s1, s30  }
0xbf: {  	s0 =	sor.u32 s3, s0;
	s1 =	sshll.u32 s1, $0x11  }
0xc0: {  	s0 =	sor.u32 s1, s0  }
0xc1: {  	s0 =	sadd.s32 $0x8F2B, s0  }
0xc2: {  	[sflag:s0] =	ssyncadd.remote.s32 $0x1  }
0xc3: {  	_ =	sfence.sel $0xFFFF  }
0xc4: {  	[dreg:$0x0] =	wrdreg $0xFFFFFFFF;
	(pc) =	sbr.abs _section_cstart, $3  }
0xc5: {  	[dreg:$0x1] =	wrdreg $0xFFFFFFFF  }
0xc6: {  	_ =	task.clear_ibuf [dreg:s9], $0x2FFFF;
	_ =	strace $0x9FFFFFFF  }
0xc7: {  	(tm) =	ssettm $0x7FFFFFFF  }
tec
execute0_lowered:
.L_overlay_start_1:
0x0: {  	(tag) =	ssettag $0x1  }
0x1: {  	s0 =	rddreg [dreg:$0x0]  }
0x2: {  	s1 =	rddreg [dreg:$0x1]  }
0x3: {  	s5 =	rddreg [dreg:$0x2]  }
0x4: {  	s7 =	rddreg [dreg:$0x3]  }
0x5: {  	s3 =	rddreg [dreg:$0x4];
	s4 =	simm.s32 $0x0  }
0x6: {  	s10 =	simm.s32 $0x10A0;
	[smem:$0x7FF] =	sst s4  }
0x7: {  	s11 =	simm.s32 $0x80;
	_ =	strace $0x80000047;
	[dreg:$0xa] =	wrdreg s10  }
0x8: {  	s13 =	simm.s32 $0x10F0;
	[dreg:$0xb] =	wrdreg s11  }
0x9: {  	s15 =	simm.s32 $0x100;
	[dreg:$0xc] =	wrdreg s13  }
0xa: {  	s16 =	simm.s32 $0x1140;
	[dreg:$0xd] =	wrdreg s15  }
0xb: {  	s17 =	simm.s32 $0x180;
	[dreg:$0xe] =	wrdreg s16  }
0xc: {  	s18 =	simm.s32 $0x1190;
	[dreg:$0xf] =	wrdreg s17  }
0xd: {  	s19 =	simm.s32 $0x200;
	[dreg:$0x10] =	wrdreg s18  }
0xe: {  	s21 =	simm.s32 $0x11E0;
	[dreg:$0x11] =	wrdreg s19  }
0xf: {  	s23 =	simm.s32 $0x280;
	[dreg:$0x12] =	wrdreg s21  }
0x10: {  	s24 =	simm.s32 $0x1230;
	[dreg:$0x13] =	wrdreg s23  }
0x11: {  	[dreg:$0x14] =	wrdreg s24;
	s11 =	simm.s32 $0x380  }
0x12: {  	s2 =	srdreg.scid;
	s15 =	simm.s32 $0x400;
	[dreg:$0x17] =	wrdreg s11  }
0x13: {  	s9 =	stileid.u32;
	s17 =	simm.s32 $0x1320;
	[dreg:$0x19] =	wrdreg s15  }
0x14: {  	s28 =	simm.s32 $0x6;
	s19 =	simm.s32 $0x480;
	[dreg:$0x1a] =	wrdreg s17  }
0x15: {  	s29 =	simm.s32 $0x980;
	s21 =	simm.s32 $0x1370;
	[dreg:$0x1b] =	wrdreg s19  }
0x16: {  	s30 =	simm.s32 $0x1690;
	s23 =	simm.s32 $0x500;
	[dreg:$0x1c] =	wrdreg s21  }
0x17: {  	s2 =	sand.u32 $0x1, s2;
	[dreg:$0x1d] =	wrdreg s23;
	s11 =	simm.s32 $0x600  }
0x18: {  	s8 =	smul.u32 $0x2710, s9;
	s15 =	simm.s32 $0x680;
	[smem:$0x7EE] =	sst s11  }
0x19: {  	s14 =	smul.u32 $0x14000, s9;
	s17 =	simm.s32 $0x700;
	[smem:$0x7F0] =	sst s15  }
0x1a: {  	s6 =	smul.u32 $0x27100, s2;
	s19 =	simm.s32 $0x780;
	[smem:$0x7F3] =	sst s17  }
0x1b: {  	s12 =	smul.u32 $0x140000, s2;
	s21 =	simm.s32 $0x800;
	[smem:$0x7F5] =	sst s19  }
0x1c: {  	s20 =	ssub.s32 $0x2, s2;
	s23 =	simm.s32 $0x880;
	[smem:$0x7F7] =	sst s21  }
0x1d: {  	s6 =	sadd.s32 s8, s6;
	s8 =	simm.s32 $0x1050;
	[smem:$0x7F9] =	sst s23  }
0x1e: {  	s6 =	sshrl.u32 s6, $0x3;
	[dreg:$0x9] =	wrdreg s8;
	s8 =	simm.s32 $0x1410  }
0x1f: {  	s25 =	sadd.s32 s6, s5;
	s6 =	sadd.s32 s6, s7;
	[smem:$0x7EC] =	sst s8  }
0x20: {  	s22 =	sshrl.u32 s20, $0x1;
	s7 =	simm.s32 $0x1800;
	[dreg:$0x6] =	wrdreg s6  }
0x21: {  	s26 =	sadd.s32 $0xA00, s25;
	[dreg:$0x8] =	wrdreg s7;
	s7 =	sadd.s32 s14, s12  }
0x22: {  	s25 =	smul.u32 $0x50000, s9;
	s6 =	simm.s32 $0x1280;
	[dreg:$0x7] =	wrdreg s26  }
0x23: {  	s12 =	simm.s32 $0x12D0;
	s7 =	sshrl.u32 s7, $0x3;
	[dreg:$0x16] =	wrdreg s6  }
0x24: {  	s26 =	simm.s32 $0x300;
	[dreg:$0x18] =	wrdreg s12;
	s5 =	sadd.s32 s7, s5  }
0x25: {  	[dreg:$0x15] =	wrdreg s26;
	s10 =	sshrl.u32 s25, $0x2;
	s25 =	simm.s32 $0x13C0  }
0x26: {  	s7 =	ssub.s32 s20, s22;
	s5 =	sadd.s32 $0xA800, s5;
	[dreg:$0x1e] =	wrdreg s25  }
0x27: {  	s31 =	simm.s32 $0xA00;
	s13 =	smax.u32 s7, $0x1;
	[smem:$0x7E4] =	sst s5  }
0x28: {  	s2 =	smul.u32 $0x50000, s2;
	s7 =	simm.s32 $0x580;
	[smem:$0x7E5] =	sst s13  }
0x29: {  	s17 =	simm.s32 $0x7;
	s25 =	simm.s32 $0x900;
	[dreg:$0x1f] =	wrdreg s7  }
0x2a: {  	s19 =	simm.s32 $0x50;
	s14 =	sadd.s32 s10, s3;
	[smem:$0x7FB] =	sst s25  }
0x2b: {  	s21 =	simm.s32 $0x1;
	s16 =	sadd.s32 $0x2800, s14;
	[smem:$0x7FD] =	sst s14  }
0x2c: {  	s23 =	simm.s32 $0x2;
	s18 =	sadd.s32 $0x5000, s14;
	[smem:$0x7E6] =	sst s16  }
0x2d: {  	s11 =	simm.s32 $0x0;
	s20 =	sadd.s32 $0x7800, s14;
	[smem:$0x7E7] =	sst s18  }
0x2e: {  	s8 =	simm.s32 $0x1780;
	s22 =	sadd.s32 $0xA000, s14;
	[smem:$0x7E8] =	sst s20  }
0x2f: {  	s10 =	smul.u32 $0x5000, s9;
	s24 =	sadd.s32 $0xC800, s14;
	[smem:$0x7E9] =	sst s22  }
0x30: {  	s9 =	simm.s32 $0xB80;
	s26 =	sadd.s32 $0xF000, s14;
	[smem:$0x7EA] =	sst s24  }
0x31: {  	s12 =	sadd.s32 $0x11800, s14;
	s13 =	simm.s32 $0x1460;
	[smem:$0x7EB] =	sst s26  }
0x32: {  	s25 =	simm.s32 $0x3;
	s5 =	simm.s32 $0x1730;
	[smem:$0x7ED] =	sst s12  }
0x33: {  	s7 =	simm.s32 $0xB00;
	s2 =	sadd.s32 s10, s2;
	[smem:$0x7EF] =	sst s13  }
0x34: {  	s16 =	simm.s32 $0x14B0;
	s18 =	simm.s32 $0x1500;
	s20 =	simm.s32 $0x1550  }
0x35: {  	s22 =	simm.s32 $0x15A0;
	s24 =	simm.s32 $0x15F0;
	[smem:$0x7F2] =	sst s16  }
0x36: {  	s26 =	simm.s32 $0x1640;
	s10 =	simm.s32 $0xC00;
	[smem:$0x7F4] =	sst s18  }
0x37: {  	s2 =	sshrl.u32 s2, $0x3;
	s16 =	simm.s32 $0x2000;
	[smem:$0x7F6] =	sst s20  }
0x38: {  	s18 =	simm.s32 $0x1000;
	s20 =	simm.s32 $0x4800;
	[smem:$0x7F8] =	sst s22  }
0x39: {  	s22 =	simm.s32 $0x7000;
	[smem:$0x7FA] =	sst s24;
	s24 =	simm.s32 $0x4  }
0x3a: {  	[smem:$0x7FC] =	sst s26;
	s26 =	simm.s32 $0x5;
	s1 =	sadd.s32 s2, s1  }
0x3b: {  	v0 =	vimm.f32 $0.0e+00;
	s2 =	simm.s32 $0x16E0;
	[smem:$0x7F1] =	sst s1;
	s1 =	simm.s32 $0xA80  }
.LBB2_1:
0x3c: {  	s12 =	simm.s32 $0x0;
	s15 =	simm.s32 $0x200  }
.LBB2_2:
0x3d: {  	p0 =	sne.s32 s15, $0x9E00;
	[tilespmem:s12+$0x2070] =	vst v0  }
0x3e: {  	[tilespmem:s12+$0x2000] =	vst v0  }
0x3f: {  	[tilespmem:s12+$0x2010] =	vst v0  }
.Ltmp0:
0x40: {  	[tilespmem:s12+$0x2020] =	vst v0;
	(pc) =	sbr.rel @p0 .LBB2_2-.Ltmp0, $4  }
0x41: {  	[tilespmem:s12+$0x2030] =	vst v0  }
0x42: {  	[tilespmem:s12+$0x2040] =	vst v0  }
0x43: {  	[tilespmem:s12+$0x2050] =	vst v0  }
0x44: {  	[tilespmem:s12+$0x2060] =	vst v0;
	s12 =	sshra.s32 s15, $0x2;
	s15 =	sadd.s32 $0x200, s15  }
0x45: {  	[tilespmem:s12+$0x2070] =	vst v0  }
0x46: {  	[tilespmem:s12+$0x2000] =	vst v0  }
0x47: {  	[tilespmem:s12+$0x2010] =	vst v0  }
0x48: {  	[tilespmem:s12+$0x2020] =	vst v0  }
0x49: {  	[tilespmem:s12+$0x2030] =	vst v0  }
0x4a: {  	[tilespmem:s12+$0x2040] =	vst v0  }
0x4b: {  	[tilespmem:s12+$0x2050] =	vst v0  }
0x4c: {  	[tilespmem:s12+$0x2060] =	vst v0  }
0x4d: {  	[spmem:s14] =	stream.linear.scatter [tilespmem:s16], [sflag:$0x7], $0x2800, $0x38;
	[tilespmem:$0x1D800] =	vst v63  }
0x4e: {  	_ =	swait.ge [sflag:s17], $0x2800  }
0x4f: {  	s6 =	sld [smem:$0x7E6]  }
0x50: {  	[sflag:s17] =	ssyncset.done $0x0  }
0x51: {  	[sflag:s17] =	ssyncadd.s32 $0xFFFFD800  }
0x52: {  	[spmem:s6] =	stream.linear.scatter [tilespmem:s16], [sflag:$0x7], $0x2800, $0x38;
	[tilespmem:$0x1D800] =	vst v63  }
0x53: {  	_ =	swait.ge [sflag:s17], $0x2800  }
0x54: {  	s13 =	sld [smem:$0x7E7]  }
0x55: {  	[sflag:s17] =	ssyncset.done $0x0  }
0x56: {  	[sflag:s17] =	ssyncadd.s32 $0xFFFFD800  }
0x57: {  	[spmem:s13] =	stream.linear.scatter [tilespmem:s16], [sflag:$0x7], $0x2800, $0x38;
	[tilespmem:$0x1D800] =	vst v63  }
0x58: {  	_ =	swait.ge [sflag:s17], $0x2800  }
0x59: {  	s14 =	sld [smem:$0x7E8]  }
0x5a: {  	[sflag:s17] =	ssyncset.done $0x0  }
0x5b: {  	[sflag:s17] =	ssyncadd.s32 $0xFFFFD800  }
0x5c: {  	[spmem:s14] =	stream.linear.scatter [tilespmem:s16], [sflag:$0x7], $0x2800, $0x38;
	[tilespmem:$0x1D800] =	vst v63  }
0x5d: {  	_ =	swait.ge [sflag:s17], $0x2800  }
0x5e: {  	s15 =	sld [smem:$0x7E9]  }
0x5f: {  	[sflag:s17] =	ssyncset.done $0x0  }
0x60: {  	[sflag:s17] =	ssyncadd.s32 $0xFFFFD800  }
0x61: {  	[spmem:s15] =	stream.linear.scatter [tilespmem:s16], [sflag:$0x7], $0x2800, $0x38;
	[tilespmem:$0x1D800] =	vst v63  }
0x62: {  	_ =	swait.ge [sflag:s17], $0x2800  }
0x63: {  	s12 =	sld [smem:$0x7EA]  }
0x64: {  	[sflag:s17] =	ssyncset.done $0x0  }
0x65: {  	[sflag:s17] =	ssyncadd.s32 $0xFFFFD800  }
0x66: {  	[spmem:s12] =	stream.linear.scatter [tilespmem:s16], [sflag:$0x7], $0x2800, $0x38;
	[tilespmem:$0x1D800] =	vst v63  }
0x67: {  	_ =	swait.ge [sflag:s17], $0x2800  }
0x68: {  	s13 =	sld [smem:$0x7EB]  }
0x69: {  	[sflag:s17] =	ssyncset.done $0x0  }
0x6a: {  	[sflag:s17] =	ssyncadd.s32 $0xFFFFD800  }
0x6b: {  	[spmem:s13] =	stream.linear.scatter [tilespmem:s16], [sflag:$0x7], $0x2800, $0x38;
	[tilespmem:$0x1D800] =	vst v63  }
0x6c: {  	_ =	swait.ge [sflag:s17], $0x2800  }
0x6d: {  	s14 =	sld [smem:$0x7ED]  }
0x6e: {  	[sflag:s17] =	ssyncset.done $0x0  }
0x6f: {  	[sflag:s17] =	ssyncadd.s32 $0xFFFFD800  }
0x70: {  	[spmem:s14] =	stream.linear.scatter [tilespmem:s16], [sflag:$0x7], $0x2800, $0x38;
	[tilespmem:$0x1D800] =	vst v63  }
0x71: {  	_ =	swait.ge [sflag:s17], $0x2800  }
0x72: {  	[sflag:s17] =	ssyncset.done $0x0  }
0x73: {  	[sflag:s17] =	ssyncadd.s32 $0xFFFFD800  }
0x74: {  	[bflag:$0x0] =	sbarrier.arrive $0xFFFF  }
0x75: {  	s6 =	sld [smem:$0x7F1];
	_ =	sdelay $0x2  }
0x76: {  	[tilespmem:s4], [sflag:$0x7] =	stream.linear.gather [hbm4b:s6+s4], $0xC80, $0x38;
	[tilespmem:$0x1D800] =	vst v63  }
0x77: {  	_ =	swait.ge [sflag:s17], $0xC80  }
0x78: {  	s15 =	rddreg [dreg:$0x7];
	[sflag:s17] =	ssyncset.done $0x0  }
0x79: {  	[sflag:s17] =	ssyncadd.s32 $0xFFFFF380;
	s12 =	sadd.s32 $0x0, s15  }
0x7a: {  	[tilespmem:s18], [sflag:$0x7] =	stream.linear.gather [hbm4b:s12+s4], $0x7D0, $0x38;
	[tilespmem:$0x1D800] =	vst v63  }
0x7b: {  	_ =	swait.ge [sflag:s17], $0x7D0  }
0x7c: {  	s13 =	rddreg [dreg:$0x6];
	[sflag:s17] =	ssyncset.done $0x0  }
0x7d: {  	s15 =	rddreg [dreg:$0x8];
	[sflag:s17] =	ssyncadd.s32 $0xFFFFF830;
	s12 =	sadd.s32 $0x0, s13  }
0x7e: {  	[tilespmem:s15], [sflag:$0x7] =	stream.linear.gather [hbm4b:s12+s4], $0x7D0, $0x38;
	[tilespmem:$0x1D800] =	vst v63  }
0x7f: {  	_ =	swait.ge [sflag:s17], $0x7D0  }
0x80: {  	[sflag:s17] =	ssyncset.done $0x0  }
0x81: {  	[sflag:s17] =	ssyncadd.s32 $0xFFFFF830  }
0x82: {  	[tilespmem:s16], [sflag:$0x1] =	stream.indirect.gather [hbm4b:s0+s19], $0x80, s18, s19, $0xb8;
	[tilespmem:$0x1D800] =	vst v63  }
0x83: {  	s14 =	rddreg [dreg:$0x9]  }
0x84: {  	[tilespmem:s20], [sflag:$0x2] =	stream.indirect.gather [hbm4b:s0+s19], $0x80, s14, s19, $0xb8;
	[tilespmem:$0x1D800] =	vst v63  }
0x85: {  	_ =	swait.ge [sflag:s21], $0x2800  }
0x86: {  	[sflag:s21] =	ssyncset.done $0x0  }
0x87: {  	[sflag:s21] =	ssyncadd.s32 $0xFFFFD800  }
0x88: {  	[spmem:s3] =	stream.indirect.scatter.add.f32 [tilespmem:s16], [sflag:$0x4], $0x80, s4, s19, $0xb8;
	[tilespmem:$0x1D800] =	vst v63  }
0x89: {  	s15 =	rddreg [dreg:$0xa]  }
0x8a: {  	[tilespmem:s22], [sflag:$0x3] =	stream.indirect.gather [hbm4b:s0+s19], $0x80, s15, s19, $0xb8;
	[tilespmem:$0x1D800] =	vst v63  }
0x8b: {  	_ =	swait.ge [sflag:s23], $0x2800  }
0x8c: {  	[sflag:s23] =	ssyncset.done $0x0  }
0x8d: {  	s13 =	rddreg [dreg:$0xb];
	[sflag:s23] =	ssyncadd.s32 $0xFFFFD800  }
0x8e: {  	[spmem:s3] =	stream.indirect.scatter.add.f32 [tilespmem:s20], [sflag:$0x5], $0x80, s13, s19, $0xb8;
	[tilespmem:$0x1D800] =	vst v63  }
0x8f: {  	_ =	swait.ge [sflag:s24], $0x2800  }
0x90: {  	[sflag:s24] =	ssyncset.done $0x0  }
0x91: {  	s14 =	rddreg [dreg:$0xc];
	[sflag:s24] =	ssyncadd.s32 $0xFFFFD800  }
0x92: {  	[tilespmem:s16], [sflag:$0x1] =	stream.indirect.gather [hbm4b:s0+s19], $0x80, s14, s19, $0xb8;
	[tilespmem:$0x1D800] =	vst v63  }
0x93: {  	_ =	swait.ge [sflag:s25], $0x2800  }
0x94: {  	[sflag:s25] =	ssyncset.done $0x0  }
0x95: {  	s15 =	rddreg [dreg:$0xd];
	[sflag:s25] =	ssyncadd.s32 $0xFFFFD800  }
0x96: {  	[spmem:s3] =	stream.indirect.scatter.add.f32 [tilespmem:s22], [sflag:$0x6], $0x80, s15, s19, $0xb8;
	[tilespmem:$0x1D800] =	vst v63  }
0x97: {  	_ =	swait.ge [sflag:s26], $0x2800  }
0x98: {  	[sflag:s26] =	ssyncset.done $0x0  }
0x99: {  	s13 =	rddreg [dreg:$0xe];
	[sflag:s26] =	ssyncadd.s32 $0xFFFFD800  }
0x9a: {  	[tilespmem:s20], [sflag:$0x2] =	stream.indirect.gather [hbm4b:s0+s19], $0x80, s13, s19, $0xb8;
	[tilespmem:$0x1D800] =	vst v63  }
0x9b: {  	_ =	swait.ge [sflag:s21], $0x2800  }
0x9c: {  	[sflag:s21] =	ssyncset.done $0x0  }
0x9d: {  	s14 =	rddreg [dreg:$0xf];
	[sflag:s21] =	ssyncadd.s32 $0xFFFFD800  }
0x9e: {  	[spmem:s3] =	stream.indirect.scatter.add.f32 [tilespmem:s16], [sflag:$0x4], $0x80, s14, s19, $0xb8;
	[tilespmem:$0x1D800] =	vst v63  }
0x9f: {  	_ =	swait.ge [sflag:s28], $0x2800  }
0xa0: {  	[sflag:s28] =	ssyncset.done $0x0  }
0xa1: {  	s15 =	rddreg [dreg:$0x10];
	[sflag:s28] =	ssyncadd.s32 $0xFFFFD800  }
0xa2: {  	[tilespmem:s22], [sflag:$0x3] =	stream.indirect.gather [hbm4b:s0+s19], $0x80, s15, s19, $0xb8;
	[tilespmem:$0x1D800] =	vst v63  }
0xa3: {  	_ =	swait.ge [sflag:s23], $0x2800  }
0xa4: {  	[sflag:s23] =	ssyncset.done $0x0  }
0xa5: {  	s13 =	rddreg [dreg:$0x11];
	[sflag:s23] =	ssyncadd.s32 $0xFFFFD800  }
0xa6: {  	[spmem:s3] =	stream.indirect.scatter.add.f32 [tilespmem:s20], [sflag:$0x5], $0x80, s13, s19, $0xb8;
	[tilespmem:$0x1D800] =	vst v63  }
0xa7: {  	_ =	swait.ge [sflag:s24], $0x2800  }
0xa8: {  	[sflag:s24] =	ssyncset.done $0x0  }
0xa9: {  	s14 =	rddreg [dreg:$0x12];
	[sflag:s24] =	ssyncadd.s32 $0xFFFFD800  }
0xaa: {  	[tilespmem:s16], [sflag:$0x1] =	stream.indirect.gather [hbm4b:s0+s19], $0x80, s14, s19, $0xb8;
	[tilespmem:$0x1D800] =	vst v63  }
0xab: {  	_ =	swait.ge [sflag:s25], $0x2800  }
0xac: {  	[sflag:s25] =	ssyncset.done $0x0  }
0xad: {  	s15 =	rddreg [dreg:$0x13];
	[sflag:s25] =	ssyncadd.s32 $0xFFFFD800  }
0xae: {  	[spmem:s3] =	stream.indirect.scatter.add.f32 [tilespmem:s22], [sflag:$0x6], $0x80, s15, s19, $0xb8;
	[tilespmem:$0x1D800] =	vst v63  }
0xaf: {  	_ =	swait.ge [sflag:s26], $0x2800  }
0xb0: {  	[sflag:s26] =	ssyncset.done $0x0  }
0xb1: {  	s13 =	rddreg [dreg:$0x14];
	[sflag:s26] =	ssyncadd.s32 $0xFFFFD800  }
0xb2: {  	[tilespmem:s20], [sflag:$0x2] =	stream.indirect.gather [hbm4b:s0+s19], $0x80, s13, s19, $0xb8;
	[tilespmem:$0x1D800] =	vst v63  }
0xb3: {  	_ =	swait.ge [sflag:s21], $0x2800  }
0xb4: {  	[sflag:s21] =	ssyncset.done $0x0  }
0xb5: {  	s14 =	rddreg [dreg:$0x15];
	[sflag:s21] =	ssyncadd.s32 $0xFFFFD800  }
0xb6: {  	[spmem:s3] =	stream.indirect.scatter.add.f32 [tilespmem:s16], [sflag:$0x4], $0x80, s14, s19, $0xb8;
	[tilespmem:$0x1D800] =	vst v63  }
0xb7: {  	_ =	swait.ge [sflag:s28], $0x2800  }
0xb8: {  	[sflag:s28] =	ssyncset.done $0x0  }
0xb9: {  	s15 =	rddreg [dreg:$0x16];
	[sflag:s28] =	ssyncadd.s32 $0xFFFFD800  }
0xba: {  	[tilespmem:s22], [sflag:$0x3] =	stream.indirect.gather [hbm4b:s0+s19], $0x80, s15, s19, $0xb8;
	[tilespmem:$0x1D800] =	vst v63  }
0xbb: {  	_ =	swait.ge [sflag:s23], $0x2800  }
0xbc: {  	[sflag:s23] =	ssyncset.done $0x0  }
0xbd: {  	s13 =	rddreg [dreg:$0x17];
	[sflag:s23] =	ssyncadd.s32 $0xFFFFD800  }
0xbe: {  	[spmem:s3] =	stream.indirect.scatter.add.f32 [tilespmem:s20], [sflag:$0x5], $0x80, s13, s19, $0xb8;
	[tilespmem:$0x1D800] =	vst v63  }
0xbf: {  	_ =	swait.ge [sflag:s24], $0x2800  }
0xc0: {  	[sflag:s24] =	ssyncset.done $0x0  }
0xc1: {  	s14 =	rddreg [dreg:$0x18];
	[sflag:s24] =	ssyncadd.s32 $0xFFFFD800  }
0xc2: {  	[tilespmem:s16], [sflag:$0x1] =	stream.indirect.gather [hbm4b:s0+s19], $0x80, s14, s19, $0xb8;
	[tilespmem:$0x1D800] =	vst v63  }
0xc3: {  	_ =	swait.ge [sflag:s25], $0x2800  }
0xc4: {  	[sflag:s25] =	ssyncset.done $0x0  }
0xc5: {  	s15 =	rddreg [dreg:$0x19];
	[sflag:s25] =	ssyncadd.s32 $0xFFFFD800  }
0xc6: {  	[spmem:s3] =	stream.indirect.scatter.add.f32 [tilespmem:s22], [sflag:$0x6], $0x80, s15, s19, $0xb8;
	[tilespmem:$0x1D800] =	vst v63  }
0xc7: {  	_ =	swait.ge [sflag:s26], $0x2800  }
0xc8: {  	[sflag:s26] =	ssyncset.done $0x0  }
0xc9: {  	s13 =	rddreg [dreg:$0x1a];
	[sflag:s26] =	ssyncadd.s32 $0xFFFFD800  }
0xca: {  	[tilespmem:s20], [sflag:$0x2] =	stream.indirect.gather [hbm4b:s0+s19], $0x80, s13, s19, $0xb8;
	[tilespmem:$0x1D800] =	vst v63  }
0xcb: {  	_ =	swait.ge [sflag:s21], $0x2800  }
0xcc: {  	[sflag:s21] =	ssyncset.done $0x0  }
0xcd: {  	s14 =	rddreg [dreg:$0x1b];
	[sflag:s21] =	ssyncadd.s32 $0xFFFFD800  }
0xce: {  	[spmem:s3] =	stream.indirect.scatter.add.f32 [tilespmem:s16], [sflag:$0x4], $0x80, s14, s19, $0xb8;
	[tilespmem:$0x1D800] =	vst v63  }
0xcf: {  	_ =	swait.ge [sflag:s28], $0x2800  }
0xd0: {  	[sflag:s28] =	ssyncset.done $0x0  }
0xd1: {  	s15 =	rddreg [dreg:$0x1c];
	[sflag:s28] =	ssyncadd.s32 $0xFFFFD800  }
0xd2: {  	[tilespmem:s22], [sflag:$0x3] =	stream.indirect.gather [hbm4b:s0+s19], $0x80, s15, s19, $0xb8;
	[tilespmem:$0x1D800] =	vst v63  }
0xd3: {  	_ =	swait.ge [sflag:s23], $0x2800  }
0xd4: {  	[sflag:s23] =	ssyncset.done $0x0  }
0xd5: {  	s13 =	rddreg [dreg:$0x1d];
	[sflag:s23] =	ssyncadd.s32 $0xFFFFD800  }
0xd6: {  	[spmem:s3] =	stream.indirect.scatter.add.f32 [tilespmem:s20], [sflag:$0x5], $0x80, s13, s19, $0xb8;
	[tilespmem:$0x1D800] =	vst v63  }
0xd7: {  	_ =	swait.ge [sflag:s24], $0x2800  }
0xd8: {  	[sflag:s24] =	ssyncset.done $0x0  }
0xd9: {  	s14 =	rddreg [dreg:$0x1e];
	[sflag:s24] =	ssyncadd.s32 $0xFFFFD800  }
0xda: {  	[tilespmem:s16], [sflag:$0x1] =	stream.indirect.gather [hbm4b:s0+s19], $0x80, s14, s19, $0xb8;
	[tilespmem:$0x1D800] =	vst v63  }
0xdb: {  	_ =	swait.ge [sflag:s25], $0x2800  }
0xdc: {  	[sflag:s25] =	ssyncset.done $0x0  }
0xdd: {  	s15 =	rddreg [dreg:$0x1f];
	[sflag:s25] =	ssyncadd.s32 $0xFFFFD800  }
0xde: {  	[spmem:s3] =	stream.indirect.scatter.add.f32 [tilespmem:s22], [sflag:$0x6], $0x80, s15, s19, $0xb8;
	[tilespmem:$0x1D800] =	vst v63  }
0xdf: {  	_ =	swait.ge [sflag:s26], $0x2800  }
0xe0: {  	s13 =	sld [smem:$0x7EC]  }
0xe1: {  	[sflag:s26] =	ssyncset.done $0x0  }
0xe2: {  	[sflag:s26] =	ssyncadd.s32 $0xFFFFD800  }
0xe3: {  	[tilespmem:s20], [sflag:$0x2] =	stream.indirect.gather [hbm4b:s0+s19], $0x80, s13, s19, $0xb8;
	[tilespmem:$0x1D800] =	vst v63  }
0xe4: {  	_ =	swait.ge [sflag:s21], $0x2800  }
0xe5: {  	s14 =	sld [smem:$0x7EE]  }
0xe6: {  	[sflag:s21] =	ssyncset.done $0x0  }
0xe7: {  	[sflag:s21] =	ssyncadd.s32 $0xFFFFD800  }
0xe8: {  	[spmem:s3] =	stream.indirect.scatter.add.f32 [tilespmem:s16], [sflag:$0x4], $0x80, s14, s19, $0xb8;
	[tilespmem:$0x1D800] =	vst v63  }
0xe9: {  	_ =	swait.ge [sflag:s28], $0x2800  }
0xea: {  	s15 =	sld [smem:$0x7EF]  }
0xeb: {  	[sflag:s28] =	ssyncset.done $0x0  }
0xec: {  	[sflag:s28] =	ssyncadd.s32 $0xFFFFD800  }
0xed: {  	[tilespmem:s22], [sflag:$0x3] =	stream.indirect.gather [hbm4b:s0+s19], $0x80, s15, s19, $0xb8;
	[tilespmem:$0x1D800] =	vst v63  }
0xee: {  	_ =	swait.ge [sflag:s23], $0x2800  }
0xef: {  	s13 =	sld [smem:$0x7F0]  }
0xf0: {  	[sflag:s23] =	ssyncset.done $0x0  }
0xf1: {  	[sflag:s23] =	ssyncadd.s32 $0xFFFFD800  }
0xf2: {  	[spmem:s3] =	stream.indirect.scatter.add.f32 [tilespmem:s20], [sflag:$0x5], $0x80, s13, s19, $0xb8;
	[tilespmem:$0x1D800] =	vst v63  }
0xf3: {  	_ =	swait.ge [sflag:s24], $0x2800  }
0xf4: {  	s14 =	sld [smem:$0x7F2]  }
0xf5: {  	[sflag:s24] =	ssyncset.done $0x0  }
0xf6: {  	[sflag:s24] =	ssyncadd.s32 $0xFFFFD800  }
0xf7: {  	[tilespmem:s16], [sflag:$0x1] =	stream.indirect.gather [hbm4b:s0+s19], $0x80, s14, s19, $0xb8;
	[tilespmem:$0x1D800] =	vst v63  }
0xf8: {  	_ =	swait.ge [sflag:s25], $0x2800  }
0xf9: {  	s15 =	sld [smem:$0x7F3]  }
0xfa: {  	[sflag:s25] =	ssyncset.done $0x0  }
0xfb: {  	[sflag:s25] =	ssyncadd.s32 $0xFFFFD800  }
0xfc: {  	[spmem:s3] =	stream.indirect.scatter.add.f32 [tilespmem:s22], [sflag:$0x6], $0x80, s15, s19, $0xb8;
	[tilespmem:$0x1D800] =	vst v63  }
0xfd: {  	_ =	swait.ge [sflag:s26], $0x2800  }
0xfe: {  	s13 =	sld [smem:$0x7F4]  }
0xff: {  	[sflag:s26] =	ssyncset.done $0x0  }
0x100: {  	[sflag:s26] =	ssyncadd.s32 $0xFFFFD800  }
0x101: {  	[tilespmem:s20], [sflag:$0x2] =	stream.indirect.gather [hbm4b:s0+s19], $0x80, s13, s19, $0xb8;
	[tilespmem:$0x1D800] =	vst v63  }
0x102: {  	_ =	swait.ge [sflag:s21], $0x2800  }
0x103: {  	s14 =	sld [smem:$0x7F5]  }
0x104: {  	[sflag:s21] =	ssyncset.done $0x0  }
0x105: {  	[sflag:s21] =	ssyncadd.s32 $0xFFFFD800  }
0x106: {  	[spmem:s3] =	stream.indirect.scatter.add.f32 [tilespmem:s16], [sflag:$0x4], $0x80, s14, s19, $0xb8;
	[tilespmem:$0x1D800] =	vst v63  }
0x107: {  	_ =	swait.ge [sflag:s28], $0x2800  }
0x108: {  	s15 =	sld [smem:$0x7F6]  }
0x109: {  	[sflag:s28] =	ssyncset.done $0x0  }
0x10a: {  	[sflag:s28] =	ssyncadd.s32 $0xFFFFD800  }
0x10b: {  	[tilespmem:s22], [sflag:$0x3] =	stream.indirect.gather [hbm4b:s0+s19], $0x80, s15, s19, $0xb8;
	[tilespmem:$0x1D800] =	vst v63  }
0x10c: {  	_ =	swait.ge [sflag:s23], $0x2800  }
0x10d: {  	s13 =	sld [smem:$0x7F7]  }
0x10e: {  	[sflag:s23] =	ssyncset.done $0x0  }
0x10f: {  	[sflag:s23] =	ssyncadd.s32 $0xFFFFD800  }
0x110: {  	[spmem:s3] =	stream.indirect.scatter.add.f32 [tilespmem:s20], [sflag:$0x5], $0x80, s13, s19, $0xb8;
	[tilespmem:$0x1D800] =	vst v63  }
0x111: {  	_ =	swait.ge [sflag:s24], $0x2800  }
0x112: {  	s14 =	sld [smem:$0x7F8]  }
0x113: {  	[sflag:s24] =	ssyncset.done $0x0  }
0x114: {  	[sflag:s24] =	ssyncadd.s32 $0xFFFFD800  }
0x115: {  	[tilespmem:s16], [sflag:$0x1] =	stream.indirect.gather [hbm4b:s0+s19], $0x80, s14, s19, $0xb8;
	[tilespmem:$0x1D800] =	vst v63  }
0x116: {  	_ =	swait.ge [sflag:s25], $0x2800  }
0x117: {  	s15 =	sld [smem:$0x7F9]  }
0x118: {  	[sflag:s25] =	ssyncset.done $0x0  }
0x119: {  	[sflag:s25] =	ssyncadd.s32 $0xFFFFD800  }
0x11a: {  	[spmem:s3] =	stream.indirect.scatter.add.f32 [tilespmem:s22], [sflag:$0x6], $0x80, s15, s19, $0xb8;
	[tilespmem:$0x1D800] =	vst v63  }
0x11b: {  	_ =	swait.ge [sflag:s26], $0x2800  }
0x11c: {  	s13 =	sld [smem:$0x7FA]  }
0x11d: {  	[sflag:s26] =	ssyncset.done $0x0  }
0x11e: {  	[sflag:s26] =	ssyncadd.s32 $0xFFFFD800  }
0x11f: {  	[tilespmem:s20], [sflag:$0x2] =	stream.indirect.gather [hbm4b:s0+s19], $0x80, s13, s19, $0xb8;
	[tilespmem:$0x1D800] =	vst v63  }
0x120: {  	_ =	swait.ge [sflag:s21], $0x2800  }
0x121: {  	s14 =	sld [smem:$0x7FB]  }
0x122: {  	[sflag:s21] =	ssyncset.done $0x0  }
0x123: {  	[sflag:s21] =	ssyncadd.s32 $0xFFFFD800  }
0x124: {  	[spmem:s3] =	stream.indirect.scatter.add.f32 [tilespmem:s16], [sflag:$0x4], $0x80, s14, s19, $0xb8;
	[tilespmem:$0x1D800] =	vst v63  }
0x125: {  	_ =	swait.ge [sflag:s28], $0x2800  }
0x126: {  	s15 =	sld [smem:$0x7FC]  }
0x127: {  	[sflag:s28] =	ssyncset.done $0x0  }
0x128: {  	[sflag:s28] =	ssyncadd.s32 $0xFFFFD800  }
0x129: {  	[tilespmem:s22], [sflag:$0x3] =	stream.indirect.gather [hbm4b:s0+s19], $0x80, s15, s19, $0xb8;
	[tilespmem:$0x1D800] =	vst v63  }
0x12a: {  	_ =	swait.ge [sflag:s23], $0x2800  }
0x12b: {  	[sflag:s23] =	ssyncset.done $0x0  }
0x12c: {  	[sflag:s23] =	ssyncadd.s32 $0xFFFFD800  }
0x12d: {  	[spmem:s3] =	stream.indirect.scatter.add.f32 [tilespmem:s20], [sflag:$0x5], $0x80, s29, s19, $0xb8;
	[tilespmem:$0x1D800] =	vst v63  }
0x12e: {  	_ =	swait.ge [sflag:s24], $0x2800  }
0x12f: {  	[sflag:s24] =	ssyncset.done $0x0  }
0x130: {  	[sflag:s24] =	ssyncadd.s32 $0xFFFFD800  }
0x131: {  	[tilespmem:s16], [sflag:$0x1] =	stream.indirect.gather [hbm4b:s0+s19], $0x80, s30, s19, $0xb8;
	[tilespmem:$0x1D800] =	vst v63  }
0x132: {  	_ =	swait.ge [sflag:s25], $0x2800  }
0x133: {  	[sflag:s25] =	ssyncset.done $0x0  }
0x134: {  	[sflag:s25] =	ssyncadd.s32 $0xFFFFD800  }
0x135: {  	[spmem:s3] =	stream.indirect.scatter.add.f32 [tilespmem:s22], [sflag:$0x6], $0x80, s31, s19, $0xb8;
	[tilespmem:$0x1D800] =	vst v63  }
0x136: {  	_ =	swait.ge [sflag:s26], $0x2800  }
0x137: {  	[sflag:s26] =	ssyncset.done $0x0  }
0x138: {  	[sflag:s26] =	ssyncadd.s32 $0xFFFFD800  }
0x139: {  	[tilespmem:s20], [sflag:$0x2] =	stream.indirect.gather [hbm4b:s0+s19], $0x80, s2, s19, $0xb8;
	[tilespmem:$0x1D800] =	vst v63  }
0x13a: {  	_ =	swait.ge [sflag:s21], $0x2800  }
0x13b: {  	[sflag:s21] =	ssyncset.done $0x0  }
0x13c: {  	[sflag:s21] =	ssyncadd.s32 $0xFFFFD800  }
0x13d: {  	[spmem:s3] =	stream.indirect.scatter.add.f32 [tilespmem:s16], [sflag:$0x4], $0x80, s1, s19, $0xb8;
	[tilespmem:$0x1D800] =	vst v63  }
0x13e: {  	_ =	swait.ge [sflag:s28], $0x2800  }
0x13f: {  	[sflag:s28] =	ssyncset.done $0x0  }
0x140: {  	[sflag:s28] =	ssyncadd.s32 $0xFFFFD800  }
0x141: {  	[tilespmem:s22], [sflag:$0x3] =	stream.indirect.gather [hbm4b:s0+s19], $0x80, s5, s19, $0xb8;
	[tilespmem:$0x1D800] =	vst v63  }
0x142: {  	_ =	swait.ge [sflag:s23], $0x2800  }
0x143: {  	[sflag:s23] =	ssyncset.done $0x0  }
0x144: {  	[sflag:s23] =	ssyncadd.s32 $0xFFFFD800  }
0x145: {  	[spmem:s3] =	stream.indirect.scatter.add.f32 [tilespmem:s20], [sflag:$0x5], $0x80, s7, s19, $0xb8;
	[tilespmem:$0x1D800] =	vst v63  }
0x146: {  	_ =	swait.ge [sflag:s24], $0x2800  }
0x147: {  	[sflag:s24] =	ssyncset.done $0x0  }
0x148: {  	[sflag:s24] =	ssyncadd.s32 $0xFFFFD800  }
0x149: {  	[tilespmem:s16], [sflag:$0x1] =	stream.indirect.gather [hbm4b:s0+s19], $0x80, s8, s19, $0xb8;
	[tilespmem:$0x1D800] =	vst v63  }
0x14a: {  	_ =	swait.ge [sflag:s25], $0x2800  }
0x14b: {  	[sflag:s25] =	ssyncset.done $0x0  }
0x14c: {  	[sflag:s25] =	ssyncadd.s32 $0xFFFFD800  }
0x14d: {  	[spmem:s3] =	stream.indirect.scatter.add.f32 [tilespmem:s22], [sflag:$0x6], $0x80, s9, s19, $0xb8;
	[tilespmem:$0x1D800] =	vst v63  }
0x14e: {  	_ =	swait.ge [sflag:s26], $0x2800  }
0x14f: {  	[sflag:s26] =	ssyncset.done $0x0  }
0x150: {  	[sflag:s26] =	ssyncadd.s32 $0xFFFFD800  }
0x151: {  	_ =	swait.ge [sflag:s21], $0x2800  }
0x152: {  	[sflag:s21] =	ssyncset.done $0x0  }
0x153: {  	[sflag:s21] =	ssyncadd.s32 $0xFFFFD800  }
0x154: {  	[spmem:s3] =	stream.indirect.scatter.add.f32 [tilespmem:s16], [sflag:$0x4], $0x80, s10, s19, $0xb8;
	[tilespmem:$0x1D800] =	vst v63  }
0x155: {  	_ =	swait.ge [sflag:s28], $0x2800  }
0x156: {  	[sflag:s28] =	ssyncset.done $0x0  }
0x157: {  	[sflag:s28] =	ssyncadd.s32 $0xFFFFD800  }
0x158: {  	_ =	swait.ge [sflag:s24], $0x2800  }
0x159: {  	s12 =	simm.s32 $0xFA;
	s15 =	smov.u32 s6;
	[sflag:s24] =	ssyncset.done $0x0  }
.LBB2_4:
0x15a: {  	[sflag:s24] =	ssyncadd.s32 $0xFFFFD800;
	s15 =	sadd.s32 $0x200, s15  }
0x15b: {  	[tilespmem:s4], [sflag:$0x7] =	stream.linear.gather [hbm4b:s15+s4], $0xC80, $0x38;
	[tilespmem:$0x1D800] =	vst v63  }
0x15c: {  	_ =	swait.ge [sflag:s17], $0xC80  }
0x15d: {  	s14 =	smov.u32 s12;
	s13 =	rddreg [dreg:$0x7];
	[sflag:s17] =	ssyncset.done $0x0  }
0x15e: {  	[sflag:s17] =	ssyncadd.s32 $0xFFFFF380;
	s13 =	sadd.s32 s14, s13  }
0x15f: {  	[tilespmem:s18], [sflag:$0x7] =	stream.linear.gather [hbm4b:s13+s4], $0x7D0, $0x38;
	[tilespmem:$0x1D800] =	vst v63  }
0x160: {  	_ =	swait.ge [sflag:s17], $0x7D0  }
0x161: {  	s13 =	rddreg [dreg:$0x6];
	[sflag:s17] =	ssyncset.done $0x0  }
0x162: {  	s6 =	rddreg [dreg:$0x8];
	[sflag:s17] =	ssyncadd.s32 $0xFFFFF830;
	s13 =	sadd.s32 s14, s13  }
0x163: {  	[tilespmem:s6], [sflag:$0x7] =	stream.linear.gather [hbm4b:s13+s4], $0x7D0, $0x38;
	[tilespmem:$0x1D800] =	vst v63  }
0x164: {  	_ =	swait.ge [sflag:s17], $0x7D0  }
0x165: {  	[sflag:s17] =	ssyncset.done $0x0  }
0x166: {  	[sflag:s17] =	ssyncadd.s32 $0xFFFFF830  }
0x167: {  	[tilespmem:s16], [sflag:$0x1] =	stream.indirect.gather [hbm4b:s0+s19], $0x80, s18, s19, $0xb8;
	[tilespmem:$0x1D800] =	vst v63  }
0x168: {  	s13 =	rddreg [dreg:$0x9]  }
0x169: {  	[tilespmem:s20], [sflag:$0x2] =	stream.indirect.gather [hbm4b:s0+s19], $0x80, s13, s19, $0xb8;
	[tilespmem:$0x1D800] =	vst v63  }
0x16a: {  	_ =	swait.ge [sflag:s21], $0x2800  }
0x16b: {  	[sflag:s21] =	ssyncset.done $0x0  }
0x16c: {  	[sflag:s21] =	ssyncadd.s32 $0xFFFFD800  }
0x16d: {  	[spmem:s3] =	stream.indirect.scatter.add.f32 [tilespmem:s16], [sflag:$0x4], $0x80, s4, s19, $0xb8;
	[tilespmem:$0x1D800] =	vst v63  }
0x16e: {  	s14 =	rddreg [dreg:$0xa]  }
0x16f: {  	[tilespmem:s22], [sflag:$0x3] =	stream.indirect.gather [hbm4b:s0+s19], $0x80, s14, s19, $0xb8;
	[tilespmem:$0x1D800] =	vst v63  }
0x170: {  	_ =	swait.ge [sflag:s23], $0x2800  }
0x171: {  	[sflag:s23] =	ssyncset.done $0x0  }
0x172: {  	s13 =	rddreg [dreg:$0xb];
	[sflag:s23] =	ssyncadd.s32 $0xFFFFD800  }
0x173: {  	[spmem:s3] =	stream.indirect.scatter.add.f32 [tilespmem:s20], [sflag:$0x5], $0x80, s13, s19, $0xb8;
	[tilespmem:$0x1D800] =	vst v63  }
0x174: {  	_ =	swait.ge [sflag:s24], $0x2800  }
0x175: {  	[sflag:s24] =	ssyncset.done $0x0  }
0x176: {  	s14 =	rddreg [dreg:$0xc];
	[sflag:s24] =	ssyncadd.s32 $0xFFFFD800  }
0x177: {  	[tilespmem:s16], [sflag:$0x1] =	stream.indirect.gather [hbm4b:s0+s19], $0x80, s14, s19, $0xb8;
	[tilespmem:$0x1D800] =	vst v63  }
0x178: {  	_ =	swait.ge [sflag:s25], $0x2800  }
0x179: {  	[sflag:s25] =	ssyncset.done $0x0  }
0x17a: {  	s13 =	rddreg [dreg:$0xd];
	[sflag:s25] =	ssyncadd.s32 $0xFFFFD800  }
0x17b: {  	[spmem:s3] =	stream.indirect.scatter.add.f32 [tilespmem:s22], [sflag:$0x6], $0x80, s13, s19, $0xb8;
	[tilespmem:$0x1D800] =	vst v63  }
0x17c: {  	_ =	swait.ge [sflag:s26], $0x2800  }
0x17d: {  	[sflag:s26] =	ssyncset.done $0x0  }
0x17e: {  	s14 =	rddreg [dreg:$0xe];
	[sflag:s26] =	ssyncadd.s32 $0xFFFFD800  }
0x17f: {  	[tilespmem:s20], [sflag:$0x2] =	stream.indirect.gather [hbm4b:s0+s19], $0x80, s14, s19, $0xb8;
	[tilespmem:$0x1D800] =	vst v63  }
0x180: {  	_ =	swait.ge [sflag:s21], $0x2800  }
0x181: {  	[sflag:s21] =	ssyncset.done $0x0  }
0x182: {  	s13 =	rddreg [dreg:$0xf];
	[sflag:s21] =	ssyncadd.s32 $0xFFFFD800  }
0x183: {  	[spmem:s3] =	stream.indirect.scatter.add.f32 [tilespmem:s16], [sflag:$0x4], $0x80, s13, s19, $0xb8;
	[tilespmem:$0x1D800] =	vst v63  }
0x184: {  	_ =	swait.ge [sflag:s28], $0x2800  }
0x185: {  	[sflag:s28] =	ssyncset.done $0x0  }
0x186: {  	s14 =	rddreg [dreg:$0x10];
	[sflag:s28] =	ssyncadd.s32 $0xFFFFD800  }
0x187: {  	[tilespmem:s22], [sflag:$0x3] =	stream.indirect.gather [hbm4b:s0+s19], $0x80, s14, s19, $0xb8;
	[tilespmem:$0x1D800] =	vst v63  }
0x188: {  	_ =	swait.ge [sflag:s23], $0x2800  }
0x189: {  	[sflag:s23] =	ssyncset.done $0x0  }
0x18a: {  	s13 =	rddreg [dreg:$0x11];
	[sflag:s23] =	ssyncadd.s32 $0xFFFFD800  }
0x18b: {  	[spmem:s3] =	stream.indirect.scatter.add.f32 [tilespmem:s20], [sflag:$0x5], $0x80, s13, s19, $0xb8;
	[tilespmem:$0x1D800] =	vst v63  }
0x18c: {  	_ =	swait.ge [sflag:s24], $0x2800  }
0x18d: {  	[sflag:s24] =	ssyncset.done $0x0  }
0x18e: {  	s14 =	rddreg [dreg:$0x12];
	[sflag:s24] =	ssyncadd.s32 $0xFFFFD800  }
0x18f: {  	[tilespmem:s16], [sflag:$0x1] =	stream.indirect.gather [hbm4b:s0+s19], $0x80, s14, s19, $0xb8;
	[tilespmem:$0x1D800] =	vst v63  }
0x190: {  	_ =	swait.ge [sflag:s25], $0x2800  }
0x191: {  	[sflag:s25] =	ssyncset.done $0x0  }
0x192: {  	s13 =	rddreg [dreg:$0x13];
	[sflag:s25] =	ssyncadd.s32 $0xFFFFD800  }
0x193: {  	[spmem:s3] =	stream.indirect.scatter.add.f32 [tilespmem:s22], [sflag:$0x6], $0x80, s13, s19, $0xb8;
	[tilespmem:$0x1D800] =	vst v63  }
0x194: {  	_ =	swait.ge [sflag:s26], $0x2800  }
0x195: {  	[sflag:s26] =	ssyncset.done $0x0  }
0x196: {  	s14 =	rddreg [dreg:$0x14];
	[sflag:s26] =	ssyncadd.s32 $0xFFFFD800  }
0x197: {  	[tilespmem:s20], [sflag:$0x2] =	stream.indirect.gather [hbm4b:s0+s19], $0x80, s14, s19, $0xb8;
	[tilespmem:$0x1D800] =	vst v63  }
0x198: {  	_ =	swait.ge [sflag:s21], $0x2800  }
0x199: {  	[sflag:s21] =	ssyncset.done $0x0  }
0x19a: {  	s13 =	rddreg [dreg:$0x15];
	[sflag:s21] =	ssyncadd.s32 $0xFFFFD800  }
0x19b: {  	[spmem:s3] =	stream.indirect.scatter.add.f32 [tilespmem:s16], [sflag:$0x4], $0x80, s13, s19, $0xb8;
	[tilespmem:$0x1D800] =	vst v63  }
0x19c: {  	_ =	swait.ge [sflag:s28], $0x2800  }
0x19d: {  	[sflag:s28] =	ssyncset.done $0x0  }
0x19e: {  	s14 =	rddreg [dreg:$0x16];
	[sflag:s28] =	ssyncadd.s32 $0xFFFFD800  }
0x19f: {  	[tilespmem:s22], [sflag:$0x3] =	stream.indirect.gather [hbm4b:s0+s19], $0x80, s14, s19, $0xb8;
	[tilespmem:$0x1D800] =	vst v63  }
0x1a0: {  	_ =	swait.ge [sflag:s23], $0x2800  }
0x1a1: {  	[sflag:s23] =	ssyncset.done $0x0  }
0x1a2: {  	s13 =	rddreg [dreg:$0x17];
	[sflag:s23] =	ssyncadd.s32 $0xFFFFD800  }
0x1a3: {  	[spmem:s3] =	stream.indirect.scatter.add.f32 [tilespmem:s20], [sflag:$0x5], $0x80, s13, s19, $0xb8;
	[tilespmem:$0x1D800] =	vst v63  }
0x1a4: {  	_ =	swait.ge [sflag:s24], $0x2800  }
0x1a5: {  	[sflag:s24] =	ssyncset.done $0x0  }
0x1a6: {  	s14 =	rddreg [dreg:$0x18];
	[sflag:s24] =	ssyncadd.s32 $0xFFFFD800  }
0x1a7: {  	[tilespmem:s16], [sflag:$0x1] =	stream.indirect.gather [hbm4b:s0+s19], $0x80, s14, s19, $0xb8;
	[tilespmem:$0x1D800] =	vst v63  }
0x1a8: {  	_ =	swait.ge [sflag:s25], $0x2800  }
0x1a9: {  	[sflag:s25] =	ssyncset.done $0x0  }
0x1aa: {  	s13 =	rddreg [dreg:$0x19];
	[sflag:s25] =	ssyncadd.s32 $0xFFFFD800  }
0x1ab: {  	[spmem:s3] =	stream.indirect.scatter.add.f32 [tilespmem:s22], [sflag:$0x6], $0x80, s13, s19, $0xb8;
	[tilespmem:$0x1D800] =	vst v63  }
0x1ac: {  	_ =	swait.ge [sflag:s26], $0x2800  }
0x1ad: {  	[sflag:s26] =	ssyncset.done $0x0  }
0x1ae: {  	s14 =	rddreg [dreg:$0x1a];
	[sflag:s26] =	ssyncadd.s32 $0xFFFFD800  }
0x1af: {  	[tilespmem:s20], [sflag:$0x2] =	stream.indirect.gather [hbm4b:s0+s19], $0x80, s14, s19, $0xb8;
	[tilespmem:$0x1D800] =	vst v63  }
0x1b0: {  	_ =	swait.ge [sflag:s21], $0x2800  }
0x1b1: {  	[sflag:s21] =	ssyncset.done $0x0  }
0x1b2: {  	s13 =	rddreg [dreg:$0x1b];
	[sflag:s21] =	ssyncadd.s32 $0xFFFFD800  }
0x1b3: {  	[spmem:s3] =	stream.indirect.scatter.add.f32 [tilespmem:s16], [sflag:$0x4], $0x80, s13, s19, $0xb8;
	[tilespmem:$0x1D800] =	vst v63  }
0x1b4: {  	_ =	swait.ge [sflag:s28], $0x2800  }
0x1b5: {  	[sflag:s28] =	ssyncset.done $0x0  }
0x1b6: {  	s14 =	rddreg [dreg:$0x1c];
	[sflag:s28] =	ssyncadd.s32 $0xFFFFD800  }
0x1b7: {  	[tilespmem:s22], [sflag:$0x3] =	stream.indirect.gather [hbm4b:s0+s19], $0x80, s14, s19, $0xb8;
	[tilespmem:$0x1D800] =	vst v63  }
0x1b8: {  	_ =	swait.ge [sflag:s23], $0x2800  }
0x1b9: {  	[sflag:s23] =	ssyncset.done $0x0  }
0x1ba: {  	s13 =	rddreg [dreg:$0x1d];
	[sflag:s23] =	ssyncadd.s32 $0xFFFFD800  }
0x1bb: {  	[spmem:s3] =	stream.indirect.scatter.add.f32 [tilespmem:s20], [sflag:$0x5], $0x80, s13, s19, $0xb8;
	[tilespmem:$0x1D800] =	vst v63  }
0x1bc: {  	_ =	swait.ge [sflag:s24], $0x2800  }
0x1bd: {  	[sflag:s24] =	ssyncset.done $0x0  }
0x1be: {  	s14 =	rddreg [dreg:$0x1e];
	[sflag:s24] =	ssyncadd.s32 $0xFFFFD800  }
0x1bf: {  	[tilespmem:s16], [sflag:$0x1] =	stream.indirect.gather [hbm4b:s0+s19], $0x80, s14, s19, $0xb8;
	[tilespmem:$0x1D800] =	vst v63  }
0x1c0: {  	_ =	swait.ge [sflag:s25], $0x2800  }
0x1c1: {  	[sflag:s25] =	ssyncset.done $0x0  }
0x1c2: {  	s13 =	rddreg [dreg:$0x1f];
	[sflag:s25] =	ssyncadd.s32 $0xFFFFD800  }
0x1c3: {  	[spmem:s3] =	stream.indirect.scatter.add.f32 [tilespmem:s22], [sflag:$0x6], $0x80, s13, s19, $0xb8;
	[tilespmem:$0x1D800] =	vst v63  }
0x1c4: {  	_ =	swait.ge [sflag:s26], $0x2800  }
0x1c5: {  	s14 =	sld [smem:$0x7EC]  }
0x1c6: {  	[sflag:s26] =	ssyncset.done $0x0  }
0x1c7: {  	[sflag:s26] =	ssyncadd.s32 $0xFFFFD800  }
0x1c8: {  	[tilespmem:s20], [sflag:$0x2] =	stream.indirect.gather [hbm4b:s0+s19], $0x80, s14, s19, $0xb8;
	[tilespmem:$0x1D800] =	vst v63  }
0x1c9: {  	_ =	swait.ge [sflag:s21], $0x2800  }
0x1ca: {  	s13 =	sld [smem:$0x7EE]  }
0x1cb: {  	[sflag:s21] =	ssyncset.done $0x0  }
0x1cc: {  	[sflag:s21] =	ssyncadd.s32 $0xFFFFD800  }
0x1cd: {  	[spmem:s3] =	stream.indirect.scatter.add.f32 [tilespmem:s16], [sflag:$0x4], $0x80, s13, s19, $0xb8;
	[tilespmem:$0x1D800] =	vst v63  }
0x1ce: {  	_ =	swait.ge [sflag:s28], $0x2800  }
0x1cf: {  	s14 =	sld [smem:$0x7EF]  }
0x1d0: {  	[sflag:s28] =	ssyncset.done $0x0  }
0x1d1: {  	[sflag:s28] =	ssyncadd.s32 $0xFFFFD800  }
0x1d2: {  	[tilespmem:s22], [sflag:$0x3] =	stream.indirect.gather [hbm4b:s0+s19], $0x80, s14, s19, $0xb8;
	[tilespmem:$0x1D800] =	vst v63  }
0x1d3: {  	_ =	swait.ge [sflag:s23], $0x2800  }
0x1d4: {  	s13 =	sld [smem:$0x7F0]  }
0x1d5: {  	[sflag:s23] =	ssyncset.done $0x0  }
0x1d6: {  	[sflag:s23] =	ssyncadd.s32 $0xFFFFD800  }
0x1d7: {  	[spmem:s3] =	stream.indirect.scatter.add.f32 [tilespmem:s20], [sflag:$0x5], $0x80, s13, s19, $0xb8;
	[tilespmem:$0x1D800] =	vst v63  }
0x1d8: {  	_ =	swait.ge [sflag:s24], $0x2800  }
0x1d9: {  	s14 =	sld [smem:$0x7F2]  }
0x1da: {  	[sflag:s24] =	ssyncset.done $0x0  }
0x1db: {  	[sflag:s24] =	ssyncadd.s32 $0xFFFFD800  }
0x1dc: {  	[tilespmem:s16], [sflag:$0x1] =	stream.indirect.gather [hbm4b:s0+s19], $0x80, s14, s19, $0xb8;
	[tilespmem:$0x1D800] =	vst v63  }
0x1dd: {  	_ =	swait.ge [sflag:s25], $0x2800  }
0x1de: {  	s13 =	sld [smem:$0x7F3]  }
0x1df: {  	[sflag:s25] =	ssyncset.done $0x0  }
0x1e0: {  	[sflag:s25] =	ssyncadd.s32 $0xFFFFD800  }
0x1e1: {  	[spmem:s3] =	stream.indirect.scatter.add.f32 [tilespmem:s22], [sflag:$0x6], $0x80, s13, s19, $0xb8;
	[tilespmem:$0x1D800] =	vst v63  }
0x1e2: {  	_ =	swait.ge [sflag:s26], $0x2800  }
0x1e3: {  	s14 =	sld [smem:$0x7F4]  }
0x1e4: {  	[sflag:s26] =	ssyncset.done $0x0  }
0x1e5: {  	[sflag:s26] =	ssyncadd.s32 $0xFFFFD800  }
0x1e6: {  	[tilespmem:s20], [sflag:$0x2] =	stream.indirect.gather [hbm4b:s0+s19], $0x80, s14, s19, $0xb8;
	[tilespmem:$0x1D800] =	vst v63  }
0x1e7: {  	_ =	swait.ge [sflag:s21], $0x2800  }
0x1e8: {  	s13 =	sld [smem:$0x7F5]  }
0x1e9: {  	[sflag:s21] =	ssyncset.done $0x0  }
0x1ea: {  	[sflag:s21] =	ssyncadd.s32 $0xFFFFD800  }
0x1eb: {  	[spmem:s3] =	stream.indirect.scatter.add.f32 [tilespmem:s16], [sflag:$0x4], $0x80, s13, s19, $0xb8;
	[tilespmem:$0x1D800] =	vst v63  }
0x1ec: {  	_ =	swait.ge [sflag:s28], $0x2800  }
0x1ed: {  	s14 =	sld [smem:$0x7F6]  }
0x1ee: {  	[sflag:s28] =	ssyncset.done $0x0  }
0x1ef: {  	[sflag:s28] =	ssyncadd.s32 $0xFFFFD800  }
0x1f0: {  	[tilespmem:s22], [sflag:$0x3] =	stream.indirect.gather [hbm4b:s0+s19], $0x80, s14, s19, $0xb8;
	[tilespmem:$0x1D800] =	vst v63  }
0x1f1: {  	_ =	swait.ge [sflag:s23], $0x2800  }
0x1f2: {  	s13 =	sld [smem:$0x7F7]  }
0x1f3: {  	[sflag:s23] =	ssyncset.done $0x0  }
0x1f4: {  	[sflag:s23] =	ssyncadd.s32 $0xFFFFD800  }
0x1f5: {  	[spmem:s3] =	stream.indirect.scatter.add.f32 [tilespmem:s20], [sflag:$0x5], $0x80, s13, s19, $0xb8;
	[tilespmem:$0x1D800] =	vst v63  }
0x1f6: {  	_ =	swait.ge [sflag:s24], $0x2800  }
0x1f7: {  	s14 =	sld [smem:$0x7F8]  }
0x1f8: {  	[sflag:s24] =	ssyncset.done $0x0  }
0x1f9: {  	[sflag:s24] =	ssyncadd.s32 $0xFFFFD800  }
0x1fa: {  	[tilespmem:s16], [sflag:$0x1] =	stream.indirect.gather [hbm4b:s0+s19], $0x80, s14, s19, $0xb8;
	[tilespmem:$0x1D800] =	vst v63  }
0x1fb: {  	_ =	swait.ge [sflag:s25], $0x2800  }
0x1fc: {  	s13 =	sld [smem:$0x7F9]  }
0x1fd: {  	[sflag:s25] =	ssyncset.done $0x0  }
0x1fe: {  	[sflag:s25] =	ssyncadd.s32 $0xFFFFD800  }
0x1ff: {  	[spmem:s3] =	stream.indirect.scatter.add.f32 [tilespmem:s22], [sflag:$0x6], $0x80, s13, s19, $0xb8;
	[tilespmem:$0x1D800] =	vst v63  }
0x200: {  	_ =	swait.ge [sflag:s26], $0x2800  }
0x201: {  	s14 =	sld [smem:$0x7FA]  }
0x202: {  	[sflag:s26] =	ssyncset.done $0x0  }
0x203: {  	[sflag:s26] =	ssyncadd.s32 $0xFFFFD800  }
0x204: {  	[tilespmem:s20], [sflag:$0x2] =	stream.indirect.gather [hbm4b:s0+s19], $0x80, s14, s19, $0xb8;
	[tilespmem:$0x1D800] =	vst v63  }
0x205: {  	_ =	swait.ge [sflag:s21], $0x2800  }
0x206: {  	s13 =	sld [smem:$0x7FB]  }
0x207: {  	[sflag:s21] =	ssyncset.done $0x0  }
0x208: {  	[sflag:s21] =	ssyncadd.s32 $0xFFFFD800  }
0x209: {  	[spmem:s3] =	stream.indirect.scatter.add.f32 [tilespmem:s16], [sflag:$0x4], $0x80, s13, s19, $0xb8;
	[tilespmem:$0x1D800] =	vst v63  }
0x20a: {  	_ =	swait.ge [sflag:s28], $0x2800  }
0x20b: {  	s14 =	sld [smem:$0x7FC]  }
0x20c: {  	[sflag:s28] =	ssyncset.done $0x0  }
0x20d: {  	[sflag:s28] =	ssyncadd.s32 $0xFFFFD800  }
0x20e: {  	[tilespmem:s22], [sflag:$0x3] =	stream.indirect.gather [hbm4b:s0+s19], $0x80, s14, s19, $0xb8;
	[tilespmem:$0x1D800] =	vst v63  }
0x20f: {  	_ =	swait.ge [sflag:s23], $0x2800  }
0x210: {  	[sflag:s23] =	ssyncset.done $0x0  }
0x211: {  	[sflag:s23] =	ssyncadd.s32 $0xFFFFD800  }
0x212: {  	[spmem:s3] =	stream.indirect.scatter.add.f32 [tilespmem:s20], [sflag:$0x5], $0x80, s29, s19, $0xb8;
	[tilespmem:$0x1D800] =	vst v63  }
0x213: {  	_ =	swait.ge [sflag:s24], $0x2800  }
0x214: {  	[sflag:s24] =	ssyncset.done $0x0  }
0x215: {  	[sflag:s24] =	ssyncadd.s32 $0xFFFFD800  }
0x216: {  	[tilespmem:s16], [sflag:$0x1] =	stream.indirect.gather [hbm4b:s0+s19], $0x80, s30, s19, $0xb8;
	[tilespmem:$0x1D800] =	vst v63  }
0x217: {  	_ =	swait.ge [sflag:s25], $0x2800  }
0x218: {  	[sflag:s25] =	ssyncset.done $0x0  }
0x219: {  	[sflag:s25] =	ssyncadd.s32 $0xFFFFD800  }
0x21a: {  	[spmem:s3] =	stream.indirect.scatter.add.f32 [tilespmem:s22], [sflag:$0x6], $0x80, s31, s19, $0xb8;
	[tilespmem:$0x1D800] =	vst v63  }
0x21b: {  	_ =	swait.ge [sflag:s26], $0x2800  }
0x21c: {  	[sflag:s26] =	ssyncset.done $0x0  }
0x21d: {  	[sflag:s26] =	ssyncadd.s32 $0xFFFFD800  }
0x21e: {  	[tilespmem:s20], [sflag:$0x2] =	stream.indirect.gather [hbm4b:s0+s19], $0x80, s2, s19, $0xb8;
	[tilespmem:$0x1D800] =	vst v63  }
0x21f: {  	_ =	swait.ge [sflag:s21], $0x2800  }
0x220: {  	[sflag:s21] =	ssyncset.done $0x0  }
0x221: {  	[sflag:s21] =	ssyncadd.s32 $0xFFFFD800  }
0x222: {  	[spmem:s3] =	stream.indirect.scatter.add.f32 [tilespmem:s16], [sflag:$0x4], $0x80, s1, s19, $0xb8;
	[tilespmem:$0x1D800] =	vst v63  }
0x223: {  	_ =	swait.ge [sflag:s28], $0x2800  }
0x224: {  	[sflag:s28] =	ssyncset.done $0x0  }
0x225: {  	[sflag:s28] =	ssyncadd.s32 $0xFFFFD800  }
0x226: {  	[tilespmem:s22], [sflag:$0x3] =	stream.indirect.gather [hbm4b:s0+s19], $0x80, s5, s19, $0xb8;
	[tilespmem:$0x1D800] =	vst v63  }
0x227: {  	_ =	swait.ge [sflag:s23], $0x2800  }
0x228: {  	[sflag:s23] =	ssyncset.done $0x0  }
0x229: {  	[sflag:s23] =	ssyncadd.s32 $0xFFFFD800  }
0x22a: {  	[spmem:s3] =	stream.indirect.scatter.add.f32 [tilespmem:s20], [sflag:$0x5], $0x80, s7, s19, $0xb8;
	[tilespmem:$0x1D800] =	vst v63  }
0x22b: {  	_ =	swait.ge [sflag:s24], $0x2800  }
0x22c: {  	[sflag:s24] =	ssyncset.done $0x0  }
0x22d: {  	[sflag:s24] =	ssyncadd.s32 $0xFFFFD800  }
0x22e: {  	[tilespmem:s16], [sflag:$0x1] =	stream.indirect.gather [hbm4b:s0+s19], $0x80, s8, s19, $0xb8;
	[tilespmem:$0x1D800] =	vst v63  }
0x22f: {  	_ =	swait.ge [sflag:s25], $0x2800  }
0x230: {  	[sflag:s25] =	ssyncset.done $0x0  }
0x231: {  	[sflag:s25] =	ssyncadd.s32 $0xFFFFD800  }
0x232: {  	[spmem:s3] =	stream.indirect.scatter.add.f32 [tilespmem:s22], [sflag:$0x6], $0x80, s9, s19, $0xb8;
	[tilespmem:$0x1D800] =	vst v63  }
0x233: {  	_ =	swait.ge [sflag:s26], $0x2800  }
0x234: {  	[sflag:s26] =	ssyncset.done $0x0  }
0x235: {  	[sflag:s26] =	ssyncadd.s32 $0xFFFFD800  }
0x236: {  	_ =	swait.ge [sflag:s21], $0x2800  }
0x237: {  	[sflag:s21] =	ssyncset.done $0x0  }
0x238: {  	p0 =	sne.s32 s12, $0x3E8;
	[sflag:s21] =	ssyncadd.s32 $0xFFFFD800  }
0x239: {  	[spmem:s3] =	stream.indirect.scatter.add.f32 [tilespmem:s16], [sflag:$0x4], $0x80, s10, s19, $0xb8;
	[tilespmem:$0x1D800] =	vst v63  }
.Ltmp1:
0x23a: {  	_ =	swait.ge [sflag:s28], $0x2800;
	(pc) =	sbr.rel @p0 .LBB2_4-.Ltmp1, $4  }
0x23b: {  	[sflag:s28] =	ssyncset.done $0x0  }
0x23c: {  	[sflag:s28] =	ssyncadd.s32 $0xFFFFD800  }
0x23d: {  	_ =	swait.ge [sflag:s24], $0x2800  }
0x23e: {  	s12 =	sadd.s32 $0xFA, s12;
	[sflag:s24] =	ssyncset.done $0x0  }
0x23f: {  	[sflag:s24] =	ssyncadd.s32 $0xFFFFD800  }
0x240: {  	[bflag:$0x0] =	sbarrier.arrive $0xFFFF  }
0x241: {  	s14 =	sld [smem:$0x7FD]  }
0x242: {  	s6 =	stileid.u32;
	s13 =	sld [smem:$0x7E4]  }
0x243: {  	s6 =	sshll.u32 s6, $0x6  }
0x244: {  	s6 =	sor.u32 $0x1C07, s6;
	s12 =	sshrl.u32 s14, $0x3  }
0x245: {  	[hbm:s13], [sflag:s6] =	dma.local [spmem:s12], $0x2800  }
0x246: {  	_ =	swait.ge [sflag:s17], $0x2800  }
0x247: {  	s15 =	sld [smem:$0x7E5];
	_ =	sdelay $0x1  }
0x248: {  	s11 =	sadd.s32 $0x1, s11  }
0x249: {  	p0 =	sne.s32 s11, s15  }
.Ltmp2:
0x24a: {  	_ = 	snop;
	(pc) =	sbr.rel @p0 .LBB2_1-.Ltmp2, $3  }
0x24b: {  	_ =	sdelay $0x1  }
0x24c: {  	[sflag:s17] =	ssyncset.done $0x0  }
0x24d: {  	[sflag:s17] =	ssyncadd.s32 $0xFFFFD800  }
0x24e: {  	_ =	sfence.sel $0x180000  }
0x24f: {  	[bflag:$0x0] =	sbarrier.arrive $0xFFFF  }
0x250: {  	_ =	strace $0x90000047  }
0x251: {  	s0 =	stileid.u32;
	[bflag:$0x2] =	sbarrier.arrive $0xFFFF  }
0x252: {  	p0 =	sne.s32 s0, $0x0;
	s0 =	rddreg [dreg:$0x5]  }
0x253: {  	s0 =	sadd.s32 @!p0 $0x100000, s0  }
0x254: {  	[sflag:s0] =	ssyncadd.tile.s32 @!p0 $0x1;
	_ =	shalt  }
.Lfunc_end2:
_tile_overlayer_lowered:
.L_overlay_start_2:
0x255: {  	(tag) =	ssettag $0x2  }
0x256: {  	s0 =	rddreg [dreg:$0x0];
	s2 =	stileid.u32  }
0x257: {  	s1 =	rddreg [dreg:$0x1];
	p0 =	sne.s32 s2, $0x0  }
0x258: {  	s3 =	rddreg [dreg:$0x2];
	[bflag:$0x3] =	sbarrier.arrive $0xFFFF;
	s2 =	simm.s32 @!p0 $0x1C07  }
0x259: {  	[timem:s3], [sflag:s2] =	dma.local @!p0 [hbm:s0], s1  }
0x25a: {  	s0 =	simm.s32 @!p0 $0x7  }
0x25b: {  	_ =	swait.ge @!p0 [sflag:s0], s1  }
0x25c: {  	s1 =	ssub.s32 @!p0 $0x0, s1;
	[sflag:s0] =	ssyncset.done @!p0 $0x0  }
0x25d: {  	[sflag:s0] =	ssyncadd.s32 @!p0 s1  }
0x25e: {  	[bflag:$0x3] =	sbarrier.arrive $0xFFFF  }
0x25f: {  	_ =	shalt  }

</sc_bundles>
